<compile_context>
chip_gen: v7x
topology: tpu7x:2x2x1
jax: 0.10.2.dev20260603
libtpu: 0.0.44.dev20260713+nightly
codegen_flags: <defaults>
</compile_context>

<pallas_src>
import dataclasses
import functools

import jax
import jax.numpy as jnp
from jax import lax
from jax.experimental import pallas as pl
from jax.experimental.pallas import tpu as pltpu
from jax.experimental.pallas import tpu_sc as plsc

N = 10000
E = 320000
D = 128

NC = 2
NS = 16
NW = NC * NS
CHUNK = 128
NCHUNK = 80
STRIPE = 16
NSTRIPE = NCHUNK // STRIPE
EPW = CHUNK * NCHUNK
EP = EPW * NW
NCHUNK_A = 160
NP = 10240
RPT = NP // NS


@functools.cache
def _sc_degree_kernel():
    mesh = plsc.VectorSubcoreMesh(core_axis_name="c", subcore_axis_name="s")
    cp = pltpu.CompilerParams()
    if "needs_layout_passes" in pltpu.CompilerParams.__dataclass_fields__:
        cp = dataclasses.replace(cp, needs_layout_passes=False)
    return pl.kernel(
        _sc_degree_body,
        out_type=jax.ShapeDtypeStruct((NW, NP), jnp.float32),
        mesh=mesh,
        compiler_params=cp,
        scratch_types=[
            pltpu.VMEM((NCHUNK, CHUNK), jnp.int32),
            pltpu.VMEM((NP,), jnp.float32),
        ],
    )


def _sc_degree(dst3):
    return _sc_degree_kernel()(dst3)


def _sc_degree_body(dst_hbm, out_hbm, dstv, degv):
    c = lax.axis_index("c")
    s = lax.axis_index("s")
    w = c * NS + s
    pltpu.sync_copy(dst_hbm.at[w], dstv)

    @pl.loop(0, NP, step=16)
    def _(i):
        degv[pl.ds(i, 16)] = jnp.zeros((16,), jnp.float32)

    ones = jnp.full((16,), 1.0, jnp.float32)

    @pl.loop(0, NCHUNK)
    def _(j):
        for k in range(CHUNK // 16):
            iv = dstv[j, pl.ds(k * 16, 16)]
            plsc.addupdate_scatter(degv, [iv], ones)

    pltpu.sync_copy(degv, out_hbm.at[w])


@functools.cache
def _sc_aggregate_kernel():
    mesh = plsc.VectorSubcoreMesh(core_axis_name="c", subcore_axis_name="s")
    return pl.kernel(
        _sc_aggregate_body,
        out_type=jax.ShapeDtypeStruct((NP, D), jnp.float32),
        mesh=mesh,
        scratch_types=[
            pltpu.VMEM((STRIPE, CHUNK), jnp.int32),
            pltpu.VMEM((STRIPE, CHUNK), jnp.int32),
            pltpu.VMEM((CHUNK, D), jnp.float32),
            pltpu.VMEM((CHUNK, D), jnp.float32),
            pltpu.SemaphoreType.DMA,
            pltpu.SemaphoreType.DMA,
            pltpu.VMEM_SHARED((NP, D), jnp.float32),
        ],
    )


def _sc_aggregate(u, srcA, dstA, zerosD):
    return _sc_aggregate_kernel()(u, srcA, dstA, zerosD)


def _sc_aggregate_body(u_hbm, srcA_hbm, dstA_hbm,
                       zeros_hbm, out_hbm,
                       srcv, dstv, rows0, rows1, sem0, sem1, acc_sh):
    c = lax.axis_index("c")
    s = lax.axis_index("s")

    @pl.when(c == 0)
    def _():
        pltpu.sync_copy(zeros_hbm, rows0)

        @pl.loop(0, RPT // CHUNK)
        def _(k):
            pltpu.sync_copy(rows0, acc_sh.at[pl.ds(s * RPT + k * CHUNK, CHUNK)])

    plsc.subcore_barrier()

    def stripe(src_hbm, dst_hbm, t):
        pltpu.sync_copy(src_hbm.at[s, pl.ds(t * STRIPE, STRIPE)], srcv)
        pltpu.sync_copy(dst_hbm.at[s, pl.ds(t * STRIPE, STRIPE)], dstv)
        pltpu.async_copy(u_hbm.at[srcv.at[0]], rows0, sem0)

        @pl.loop(0, STRIPE // 2)
        def _(i):
            j = 2 * i
            h1 = pltpu.async_copy(u_hbm.at[srcv.at[j + 1]], rows1, sem1)
            pltpu.make_async_copy(u_hbm.at[srcv.at[j]], rows0, sem0).wait()
            pltpu.sync_copy(rows0, acc_sh.at[dstv.at[j]], add=True)

            @pl.when(j + 2 < STRIPE)
            def _():
                pltpu.async_copy(u_hbm.at[srcv.at[j + 2]], rows0, sem0)

            h1.wait()
            pltpu.sync_copy(rows1, acc_sh.at[dstv.at[j + 1]], add=True)

    @pl.when(c == 0)
    def _():
        @pl.loop(0, NCHUNK_A // STRIPE)
        def _(t):
            stripe(srcA_hbm, dstA_hbm, t)

    plsc.subcore_barrier()

    @pl.when(c == 0)
    def _():
        pltpu.sync_copy(acc_sh.at[pl.ds(s * RPT, RPT)],
                        out_hbm.at[pl.ds(s * RPT, RPT)])



_BLK = 1024
_NBLK = NP // _BLK


def _row_spec():
    return pl.BlockSpec((_BLK, D), lambda i: (i, 0))


def _full_spec():
    return pl.BlockSpec((D, D), lambda i: (0, 0))


def _bias_spec():
    return pl.BlockSpec((1, D), lambda i: (0, 0))


def _mm_scale_body(x_ref, w_ref, dp_ref, u_ref, dinv_ref):
    ones_w = jnp.ones((NW, 1), jnp.float32)
    colsum = lax.dot_general(dp_ref[...], ones_w, (((0,), (0,)), ((), ())),
                             preferred_element_type=jnp.float32)
    dinv = lax.rsqrt(1.0 + colsum)
    dinvb = jnp.broadcast_to(dinv, (_BLK, D))
    dinv_ref[...] = dinvb
    xw = jnp.dot(x_ref[...], w_ref[...], preferred_element_type=jnp.float32)
    u_ref[...] = dinvb * xw


def _tc_mm_scale(x, w, dp):
    deg_spec = pl.BlockSpec((NW, _BLK), lambda i: (0, i))
    return pl.pallas_call(
        _mm_scale_body,
        grid=(_NBLK,),
        in_specs=[_row_spec(), _full_spec(), deg_spec],
        out_specs=[_row_spec(), _row_spec()],
        out_shape=[jax.ShapeDtypeStruct((NP, D), jnp.float32),
                   jax.ShapeDtypeStruct((NP, D), jnp.float32)],
    )(x, w, dp)


def _combine_body(a_ref, u_ref, dinv_ref, b_ref, w_ref, o_ref):
    s = a_ref[...] + u_ref[...]
    h = jax.nn.relu(dinv_ref[...] * s + b_ref[...])
    o_ref[...] = dinv_ref[...] * jnp.dot(h, w_ref[...],
                                         preferred_element_type=jnp.float32)


def _tc_combine_mm(a, u, dinvb, b, w):
    return pl.pallas_call(
        _combine_body,
        grid=(_NBLK,),
        in_specs=[_row_spec(), _row_spec(), _row_spec(),
                  _bias_spec(), _full_spec()],
        out_specs=_row_spec(),
        out_shape=jax.ShapeDtypeStruct((NP, D), jnp.float32),
    )(a, u, dinvb, b, w)


def _final_body(a_ref, u_ref, dinv_ref, b_ref, o_ref):
    s = a_ref[...] + u_ref[...]
    o_ref[...] = jax.nn.relu(dinv_ref[...] * s + b_ref[...])


def _tc_final(a, u, dinvb, b):
    return pl.pallas_call(
        _final_body,
        grid=(_NBLK,),
        in_specs=[_row_spec(), _row_spec(), _row_spec(), _bias_spec()],
        out_specs=_row_spec(),
        out_shape=jax.ShapeDtypeStruct((NP, D), jnp.float32),
    )(a, u, dinvb, b)



def kernel(features, adj, W1, b1, W2, b2):
    adj = adj.astype(jnp.int32)
    src = jnp.concatenate([adj[0], jnp.zeros((EP - E,), jnp.int32)])
    dst = jnp.concatenate([adj[1], jnp.full((EP - E,), NP - 1, jnp.int32)])
    src3 = src.reshape(NW, NCHUNK, CHUNK)
    dst3 = dst.reshape(NW, NCHUNK, CHUNK)
    srcA = src.reshape(NS, NCHUNK_A, CHUNK)
    dstA = dst.reshape(NS, NCHUNK_A, CHUNK)

    featp = jnp.pad(features, ((0, NP - N), (0, 0)))
    zerosD = jnp.zeros((CHUNK, D), jnp.float32)
    b1r = b1.reshape(1, D)
    b2r = b2.reshape(1, D)

    degp = _sc_degree(dst3)
    u1, dinvb = _tc_mm_scale(featp, W1, degp)

    acc1 = _sc_aggregate(u1, srcA, dstA, zerosD)
    u2 = _tc_combine_mm(acc1, u1, dinvb, b1r, W2)

    acc2 = _sc_aggregate(u2, srcA, dstA, zerosD)
    h = _tc_final(acc2, u2, dinvb, b2r)

    return h[:N]

# --- scband reference (transcript-rebuilt; emitter-appended) ---
"""Pipeline reference for scband-feature-extractor-39213051413061 (READ-ONLY COPY).

The authoritative reference and input builder live on the scoring server;
editing this copy changes nothing except your own understanding.
"""

import jax, jax.numpy as jnp
import numpy as np

N_NODES = 10000
N_EDGES = 320000
D_FEAT = 128
D_HID = 128
D_OUT = 128


def setup_inputs(seed: int = 0) -> dict:
    key = jax.random.key(seed)
    k1, k2, k3, k4, k5, k6 = jax.random.split(key, 6)
    features = jax.random.normal(k1, (N_NODES, D_FEAT), dtype=jnp.float32)
    adj = jax.random.randint(k2, (2, N_EDGES), 0, N_NODES, dtype=jnp.int64)
    W1 = jax.random.normal(k3, (D_FEAT, D_HID), dtype=jnp.float32) * (1.0 / np.sqrt(D_FEAT))
    b1 = jnp.zeros((D_HID,), dtype=jnp.float32)
    W2 = jax.random.normal(k4, (D_HID, D_OUT), dtype=jnp.float32) * (1.0 / np.sqrt(D_HID))
    b2 = jnp.zeros((D_OUT,), dtype=jnp.float32)
    return {"features": features, "adj": adj, "W1": W1, "b1": b1, "W2": W2, "b2": b2}


def _gcn_conv(x, edge_index, W, b):
    # Faithful GCNConv: add self-loops, symmetric normalization, scatter-add aggregation, linear transform.
    N = x.shape[0]
    loop = jnp.arange(N, dtype=edge_index.dtype)
    src = jnp.concatenate([edge_index[0], loop])
    dst = jnp.concatenate([edge_index[1], loop])
    deg = jnp.zeros((N,), dtype=jnp.float32).at[dst].add(1.0)
    dinv = jnp.where(deg > 0, jax.lax.rsqrt(deg), 0.0)
    norm = dinv[src] * dinv[dst]
    xw = x @ W
    msgs = jnp.take(xw, src, axis=0) * norm[:, None]
    out = jnp.zeros((N, W.shape[1]), dtype=jnp.float32).at[dst].add(msgs)
    return out + b


def reference(features, adj, W1, b1, W2, b2):
    # feature_extractor.forward: iterate layers; GCNConv layers followed by ReLU.
    h = _gcn_conv(features, adj, W1, b1)
    h = jax.nn.relu(h)
    h = _gcn_conv(h, adj, W2, b2)
    h = jax.nn.relu(h)
    return h

if __name__ == "__main__":
    import jax
    _d = setup_inputs()
    print(jax.jit(kernel)(*tuple(_d.values())))

</pallas_src>

<mosaic_0001>
#map = affine_map<(d0, d1) -> (0, 0)>
#map1 = affine_map<(d0, d1) -> (0, 0, 0)>
module attributes {stable_mosaic.version = 14 : i64} {
  func.func @_sc_aggregate_body(%arg0: i32, %arg1: i32, %arg2: memref<10240x128xf32, #tpu.memory_space<hbm>>, %arg3: memref<16x160x128xi32, #tpu.memory_space<hbm>>, %arg4: memref<16x160x128xi32, #tpu.memory_space<hbm>>, %arg5: memref<128x128xf32, #tpu.memory_space<hbm>>, %arg6: memref<10240x128xf32, #tpu.memory_space<hbm>>, %arg7: memref<16x128xi32, #tpu.memory_space<vmem>>, %arg8: memref<16x128xi32, #tpu.memory_space<vmem>>, %arg9: memref<128x128xf32, #tpu.memory_space<vmem>>, %arg10: memref<128x128xf32, #tpu.memory_space<vmem>>, %arg11: memref<!tpu.dma_semaphore, #tpu.memory_space<semaphore_mem>>, %arg12: memref<!tpu.dma_semaphore, #tpu.memory_space<semaphore_mem>>, %arg13: memref<10240x128xf32, #tpu.memory_space<vmem_shared>>) attributes {dimension_semantics = [#tpu.dimension_semantics<core_parallel>, #tpu.dimension_semantics<subcore_parallel>], iteration_bounds = array<i64: 2, 16>, scalar_prefetch = 0 : i64, scratch_operands = 7 : i64, tpu.core_type = #tpu.core_type<sc_vector_subcore>, window_params = [{transform_indices = #map}, {transform_indices = #map1}, {transform_indices = #map1}, {transform_indices = #map}, {transform_indices = #map}]} {
    %eq3A = arith.constant 0 : i32
    %eq3A_0 = arith.cmpi eq, %arg0, %eq3A : i32
    %convert_element_type3A = arith.extui %eq3A_0 : i1 to i32
    %cond3A = arith.constant 0 : i32
    %cond3A_1 = arith.cmpi ne, %convert_element_type3A, %cond3A : i32
    scf.if %cond3A_1 {
      "tpu.region"() ({
        %run_scoped3A = tpu.sem_alloc : memref<!tpu.dma_semaphore, #tpu.memory_space<semaphore_mem>>
        tpu.enqueue_dma source(%arg5 : memref<128x128xf32, #tpu.memory_space<hbm>>) target(%arg9 : memref<128x128xf32, #tpu.memory_space<vmem>>) target_semaphore(%run_scoped3A : memref<!tpu.dma_semaphore, #tpu.memory_space<semaphore_mem>>)
        tpu.wait_dma2 semaphore(%run_scoped3A : memref<!tpu.dma_semaphore, #tpu.memory_space<semaphore_mem>>) src(%arg5 : memref<128x128xf32, #tpu.memory_space<hbm>>) dst(%arg9 : memref<128x128xf32, #tpu.memory_space<vmem>>)
        tpu.yield
      }) : () -> ()
      %scan3A = arith.constant 0 : i32
      %scan3A_13 = arith.constant 5 : i32
      %scan3A_14 = arith.addi %scan3A, %scan3A_13 : i32
      %scan3A_15 = arith.constant 1 : i32
      scf.for %scan3A_17 = %scan3A to %scan3A_14 step %scan3A_15  : i32 {
        %mul3A = arith.constant 1 : i32
        %mul3A_18 = arith.muli %scan3A_17, %mul3A : i32
        %add3A = arith.constant 0 : i32
        %add3A_19 = arith.addi %add3A, %mul3A_18 : i32
        %mul3A_20 = arith.constant 640 : i32
        %mul3A_21 = arith.muli %arg1, %mul3A_20 : i32
        %mul3A_22 = arith.constant 128 : i32
        %mul3A_23 = arith.muli %add3A_19, %mul3A_22 : i32
        %add3A_24 = arith.addi %mul3A_21, %mul3A_23 : i32
        "tpu.region"() ({
          %run_scoped3A = tpu.sem_alloc : memref<!tpu.dma_semaphore, #tpu.memory_space<semaphore_mem>>
          %dma_start3A = arith.constant 0 : i32
          %dma_start3A_25 = tpu.memref_slice %arg13[%add3A_24, %dma_start3A] : memref<10240x128xf32, #tpu.memory_space<vmem_shared>> -> memref<128x128xf32, #tpu.memory_space<vmem_shared>>
          %dma_start3A_26 = arith.constant 0 : i32
          %dma_start3A_27 = tpu.memref_slice %arg13[%add3A_24, %dma_start3A_26] : memref<10240x128xf32, #tpu.memory_space<vmem_shared>> -> memref<128x128xf32, #tpu.memory_space<vmem_shared>>
          tpu.enqueue_dma source(%arg9 : memref<128x128xf32, #tpu.memory_space<vmem>>) target(%dma_start3A_27 : memref<128x128xf32, #tpu.memory_space<vmem_shared>>) target_semaphore(%run_scoped3A : memref<!tpu.dma_semaphore, #tpu.memory_space<semaphore_mem>>)
          %dma_wait3A = arith.constant 0 : i32
          %dma_wait3A_28 = tpu.memref_slice %arg13[%add3A_24, %dma_wait3A] : memref<10240x128xf32, #tpu.memory_space<vmem_shared>> -> memref<128x128xf32, #tpu.memory_space<vmem_shared>>
          %dma_wait3A_29 = arith.constant 0 : i32
          %dma_wait3A_30 = tpu.memref_slice %arg13[%add3A_24, %dma_wait3A_29] : memref<10240x128xf32, #tpu.memory_space<vmem_shared>> -> memref<128x128xf32, #tpu.memory_space<vmem_shared>>
          tpu.wait_dma2 semaphore(%run_scoped3A : memref<!tpu.dma_semaphore, #tpu.memory_space<semaphore_mem>>) src(%arg9 : memref<128x128xf32, #tpu.memory_space<vmem>>) dst(%dma_wait3A_30 : memref<128x128xf32, #tpu.memory_space<vmem_shared>>)
          tpu.yield
        }) : () -> ()
      }
      %scan3A_16 = arith.constant 5 : i32
    } else {
    }
    %barrier3A = arith.constant 0 : index
    tpu.barrier barrier_id(%barrier3A)
    %eq3A_2 = arith.constant 0 : i32
    %eq3A_3 = arith.cmpi eq, %arg0, %eq3A_2 : i32
    %convert_element_type3A_4 = arith.extui %eq3A_3 : i1 to i32
    %cond3A_5 = arith.constant 0 : i32
    %cond3A_6 = arith.cmpi ne, %convert_element_type3A_4, %cond3A_5 : i32
    scf.if %cond3A_6 {
      %scan3A = arith.constant 0 : i32
      %scan3A_13 = arith.constant 10 : i32
      %scan3A_14 = arith.addi %scan3A, %scan3A_13 : i32
      %scan3A_15 = arith.constant 1 : i32
      scf.for %scan3A_17 = %scan3A to %scan3A_14 step %scan3A_15  : i32 {
        %mul3A = arith.constant 1 : i32
        %mul3A_18 = arith.muli %scan3A_17, %mul3A : i32
        %add3A = arith.constant 0 : i32
        %add3A_19 = arith.addi %add3A, %mul3A_18 : i32
        %mul3A_20 = arith.constant 16 : i32
        %mul3A_21 = arith.muli %add3A_19, %mul3A_20 : i32
        "tpu.region"() ({
          %run_scoped3A = tpu.sem_alloc : memref<!tpu.dma_semaphore, #tpu.memory_space<semaphore_mem>>
          %dma_start3A_35 = arith.constant 0 : i32
          %dma_start3A_36 = tpu.memref_slice %arg3[%arg1, %mul3A_21, %dma_start3A_35] : memref<16x160x128xi32, #tpu.memory_space<hbm>> -> memref<1x16x128xi32, #tpu.memory_space<hbm>>
          %dma_start3A_37 = tpu.memref_squeeze %dma_start3A_36 : memref<1x16x128xi32, #tpu.memory_space<hbm>> -> memref<16x128xi32, #tpu.memory_space<hbm>>
          %dma_start3A_38 = arith.constant 0 : i32
          %dma_start3A_39 = tpu.memref_slice %arg3[%arg1, %mul3A_21, %dma_start3A_38] : memref<16x160x128xi32, #tpu.memory_space<hbm>> -> memref<1x16x128xi32, #tpu.memory_space<hbm>>
          %dma_start3A_40 = tpu.memref_squeeze %dma_start3A_39 : memref<1x16x128xi32, #tpu.memory_space<hbm>> -> memref<16x128xi32, #tpu.memory_space<hbm>>
          tpu.enqueue_dma source(%dma_start3A_40 : memref<16x128xi32, #tpu.memory_space<hbm>>) target(%arg7 : memref<16x128xi32, #tpu.memory_space<vmem>>) target_semaphore(%run_scoped3A : memref<!tpu.dma_semaphore, #tpu.memory_space<semaphore_mem>>)
          %dma_wait3A = arith.constant 0 : i32
          %dma_wait3A_41 = tpu.memref_slice %arg3[%arg1, %mul3A_21, %dma_wait3A] : memref<16x160x128xi32, #tpu.memory_space<hbm>> -> memref<1x16x128xi32, #tpu.memory_space<hbm>>
          %dma_wait3A_42 = tpu.memref_squeeze %dma_wait3A_41 : memref<1x16x128xi32, #tpu.memory_space<hbm>> -> memref<16x128xi32, #tpu.memory_space<hbm>>
          %dma_wait3A_43 = arith.constant 0 : i32
          %dma_wait3A_44 = tpu.memref_slice %arg3[%arg1, %mul3A_21, %dma_wait3A_43] : memref<16x160x128xi32, #tpu.memory_space<hbm>> -> memref<1x16x128xi32, #tpu.memory_space<hbm>>
          %dma_wait3A_45 = tpu.memref_squeeze %dma_wait3A_44 : memref<1x16x128xi32, #tpu.memory_space<hbm>> -> memref<16x128xi32, #tpu.memory_space<hbm>>
          tpu.wait_dma2 semaphore(%run_scoped3A : memref<!tpu.dma_semaphore, #tpu.memory_space<semaphore_mem>>) src(%dma_wait3A_45 : memref<16x128xi32, #tpu.memory_space<hbm>>) dst(%arg7 : memref<16x128xi32, #tpu.memory_space<vmem>>)
          tpu.yield
        }) : () -> ()
        %mul3A_22 = arith.constant 16 : i32
        %mul3A_23 = arith.muli %add3A_19, %mul3A_22 : i32
        "tpu.region"() ({
          %run_scoped3A = tpu.sem_alloc : memref<!tpu.dma_semaphore, #tpu.memory_space<semaphore_mem>>
          %dma_start3A_35 = arith.constant 0 : i32
          %dma_start3A_36 = tpu.memref_slice %arg4[%arg1, %mul3A_23, %dma_start3A_35] : memref<16x160x128xi32, #tpu.memory_space<hbm>> -> memref<1x16x128xi32, #tpu.memory_space<hbm>>
          %dma_start3A_37 = tpu.memref_squeeze %dma_start3A_36 : memref<1x16x128xi32, #tpu.memory_space<hbm>> -> memref<16x128xi32, #tpu.memory_space<hbm>>
          %dma_start3A_38 = arith.constant 0 : i32
          %dma_start3A_39 = tpu.memref_slice %arg4[%arg1, %mul3A_23, %dma_start3A_38] : memref<16x160x128xi32, #tpu.memory_space<hbm>> -> memref<1x16x128xi32, #tpu.memory_space<hbm>>
          %dma_start3A_40 = tpu.memref_squeeze %dma_start3A_39 : memref<1x16x128xi32, #tpu.memory_space<hbm>> -> memref<16x128xi32, #tpu.memory_space<hbm>>
          tpu.enqueue_dma source(%dma_start3A_40 : memref<16x128xi32, #tpu.memory_space<hbm>>) target(%arg8 : memref<16x128xi32, #tpu.memory_space<vmem>>) target_semaphore(%run_scoped3A : memref<!tpu.dma_semaphore, #tpu.memory_space<semaphore_mem>>)
          %dma_wait3A = arith.constant 0 : i32
          %dma_wait3A_41 = tpu.memref_slice %arg4[%arg1, %mul3A_23, %dma_wait3A] : memref<16x160x128xi32, #tpu.memory_space<hbm>> -> memref<1x16x128xi32, #tpu.memory_space<hbm>>
          %dma_wait3A_42 = tpu.memref_squeeze %dma_wait3A_41 : memref<1x16x128xi32, #tpu.memory_space<hbm>> -> memref<16x128xi32, #tpu.memory_space<hbm>>
          %dma_wait3A_43 = arith.constant 0 : i32
          %dma_wait3A_44 = tpu.memref_slice %arg4[%arg1, %mul3A_23, %dma_wait3A_43] : memref<16x160x128xi32, #tpu.memory_space<hbm>> -> memref<1x16x128xi32, #tpu.memory_space<hbm>>
          %dma_wait3A_45 = tpu.memref_squeeze %dma_wait3A_44 : memref<1x16x128xi32, #tpu.memory_space<hbm>> -> memref<16x128xi32, #tpu.memory_space<hbm>>
          tpu.wait_dma2 semaphore(%run_scoped3A : memref<!tpu.dma_semaphore, #tpu.memory_space<semaphore_mem>>) src(%dma_wait3A_45 : memref<16x128xi32, #tpu.memory_space<hbm>>) dst(%arg8 : memref<16x128xi32, #tpu.memory_space<vmem>>)
          tpu.yield
        }) : () -> ()
        %dma_start3A = arith.constant 0 : i32
        %dma_start3A_24 = arith.constant 0 : i32
        %dma_start3A_25 = tpu.memref_slice %arg7[%dma_start3A, %dma_start3A_24] : memref<16x128xi32, #tpu.memory_space<vmem>> -> memref<1x128xi32, #tpu.memory_space<vmem>>
        %dma_start3A_26 = tpu.memref_squeeze %dma_start3A_25 : memref<1x128xi32, #tpu.memory_space<vmem>> -> memref<128xi32, #tpu.memory_space<vmem>>
        %dma_start3A_27 = arith.constant 0 : i32
        %dma_start3A_28 = arith.constant 0 : i32
        %dma_start3A_29 = tpu.memref_slice %arg2[%dma_start3A_27, %dma_start3A_28] : memref<10240x128xf32, #tpu.memory_space<hbm>> -> memref<10240x128xf32, #tpu.memory_space<hbm>>
        tpu.enqueue_indirect_dma source(%dma_start3A_29 : memref<10240x128xf32, #tpu.memory_space<hbm>>) target(%arg9 : memref<128x128xf32, #tpu.memory_space<vmem>>) offsets(%dma_start3A_26 : memref<128xi32, #tpu.memory_space<vmem>>) semaphore(%arg11 : memref<!tpu.dma_semaphore, #tpu.memory_space<semaphore_mem>>)
        %scan3A_30 = arith.constant 0 : i32
        %scan3A_31 = arith.constant 8 : i32
        %scan3A_32 = arith.addi %scan3A_30, %scan3A_31 : i32
        %scan3A_33 = arith.constant 1 : i32
        scf.for %scan3A_35 = %scan3A_30 to %scan3A_32 step %scan3A_33  : i32 {
          %mul3A_36 = arith.constant 1 : i32
          %mul3A_37 = arith.muli %scan3A_35, %mul3A_36 : i32
          %add3A_38 = arith.constant 0 : i32
          %add3A_39 = arith.addi %add3A_38, %mul3A_37 : i32
          %mul3A_40 = arith.constant 2 : i32
          %mul3A_41 = arith.muli %mul3A_40, %add3A_39 : i32
          %add3A_42 = arith.constant 1 : i32
          %add3A_43 = arith.addi %mul3A_41, %add3A_42 : i32
          %dma_start3A_44 = arith.constant 0 : i32
          %dma_start3A_45 = tpu.memref_slice %arg7[%add3A_43, %dma_start3A_44] : memref<16x128xi32, #tpu.memory_space<vmem>> -> memref<1x128xi32, #tpu.memory_space<vmem>>
          %dma_start3A_46 = tpu.memref_squeeze %dma_start3A_45 : memref<1x128xi32, #tpu.memory_space<vmem>> -> memref<128xi32, #tpu.memory_space<vmem>>
          %dma_start3A_47 = arith.constant 0 : i32
          %dma_start3A_48 = arith.constant 0 : i32
          %dma_start3A_49 = tpu.memref_slice %arg2[%dma_start3A_47, %dma_start3A_48] : memref<10240x128xf32, #tpu.memory_space<hbm>> -> memref<10240x128xf32, #tpu.memory_space<hbm>>
          tpu.enqueue_indirect_dma source(%dma_start3A_49 : memref<10240x128xf32, #tpu.memory_space<hbm>>) target(%arg10 : memref<128x128xf32, #tpu.memory_space<vmem>>) offsets(%dma_start3A_46 : memref<128xi32, #tpu.memory_space<vmem>>) semaphore(%arg12 : memref<!tpu.dma_semaphore, #tpu.memory_space<semaphore_mem>>)
          %dma_wait3A = arith.constant 0 : i32
          %dma_wait3A_50 = tpu.memref_slice %arg7[%mul3A_41, %dma_wait3A] : memref<16x128xi32, #tpu.memory_space<vmem>> -> memref<1x128xi32, #tpu.memory_space<vmem>>
          %dma_wait3A_51 = tpu.memref_squeeze %dma_wait3A_50 : memref<1x128xi32, #tpu.memory_space<vmem>> -> memref<128xi32, #tpu.memory_space<vmem>>
          %dma_wait3A_52 = arith.constant 0 : i32
          %dma_wait3A_53 = arith.constant 0 : i32
          %dma_wait3A_54 = tpu.memref_slice %arg2[%dma_wait3A_52, %dma_wait3A_53] : memref<10240x128xf32, #tpu.memory_space<hbm>> -> memref<10240x128xf32, #tpu.memory_space<hbm>>
          tpu.wait_indirect_dma semaphore(%arg11 : memref<!tpu.dma_semaphore, #tpu.memory_space<semaphore_mem>>) src(%dma_wait3A_54 : memref<10240x128xf32, #tpu.memory_space<hbm>>) dst(%arg9 : memref<128x128xf32, #tpu.memory_space<vmem>>)
          "tpu.region"() ({
            %run_scoped3A = tpu.sem_alloc : memref<!tpu.dma_semaphore, #tpu.memory_space<semaphore_mem>>
            %dma_start3A_69 = arith.constant 0 : i32
            %dma_start3A_70 = tpu.memref_slice %arg8[%mul3A_41, %dma_start3A_69] : memref<16x128xi32, #tpu.memory_space<vmem>> -> memref<1x128xi32, #tpu.memory_space<vmem>>
            %dma_start3A_71 = tpu.memref_squeeze %dma_start3A_70 : memref<1x128xi32, #tpu.memory_space<vmem>> -> memref<128xi32, #tpu.memory_space<vmem>>
            %dma_start3A_72 = arith.constant 0 : i32
            %dma_start3A_73 = arith.constant 0 : i32
            %dma_start3A_74 = tpu.memref_slice %arg13[%dma_start3A_72, %dma_start3A_73] : memref<10240x128xf32, #tpu.memory_space<vmem_shared>> -> memref<10240x128xf32, #tpu.memory_space<vmem_shared>>
            tpu.enqueue_indirect_dma source(%arg9 : memref<128x128xf32, #tpu.memory_space<vmem>>) target(%dma_start3A_74 : memref<10240x128xf32, #tpu.memory_space<vmem_shared>>) offsets(%dma_start3A_71 : memref<128xi32, #tpu.memory_space<vmem>>) semaphore(%run_scoped3A : memref<!tpu.dma_semaphore, #tpu.memory_space<semaphore_mem>>) {add = true}
            %dma_wait3A_75 = arith.constant 0 : i32
            %dma_wait3A_76 = tpu.memref_slice %arg8[%mul3A_41, %dma_wait3A_75] : memref<16x128xi32, #tpu.memory_space<vmem>> -> memref<1x128xi32, #tpu.memory_space<vmem>>
            %dma_wait3A_77 = tpu.memref_squeeze %dma_wait3A_76 : memref<1x128xi32, #tpu.memory_space<vmem>> -> memref<128xi32, #tpu.memory_space<vmem>>
            %dma_wait3A_78 = arith.constant 0 : i32
            %dma_wait3A_79 = arith.constant 0 : i32
            %dma_wait3A_80 = tpu.memref_slice %arg13[%dma_wait3A_78, %dma_wait3A_79] : memref<10240x128xf32, #tpu.memory_space<vmem_shared>> -> memref<10240x128xf32, #tpu.memory_space<vmem_shared>>
            tpu.wait_indirect_dma semaphore(%run_scoped3A : memref<!tpu.dma_semaphore, #tpu.memory_space<semaphore_mem>>) src(%arg9 : memref<128x128xf32, #tpu.memory_space<vmem>>) dst(%dma_wait3A_80 : memref<10240x128xf32, #tpu.memory_space<vmem_shared>>)
            tpu.yield
          }) : () -> ()
          %add3A_55 = arith.constant 2 : i32
          %add3A_56 = arith.addi %mul3A_41, %add3A_55 : i32
          %lt3A = arith.constant 16 : i32
          %lt3A_57 = arith.cmpi slt, %add3A_56, %lt3A : i32
          %convert_element_type3A_58 = arith.extui %lt3A_57 : i1 to i32
          %cond3A_59 = arith.constant 0 : i32
          %cond3A_60 = arith.cmpi ne, %convert_element_type3A_58, %cond3A_59 : i32
          scf.if %cond3A_60 {
            %add3A_69 = arith.constant 2 : i32
            %add3A_70 = arith.addi %mul3A_41, %add3A_69 : i32
            %dma_start3A_71 = arith.constant 0 : i32
            %dma_start3A_72 = tpu.memref_slice %arg7[%add3A_70, %dma_start3A_71] : memref<16x128xi32, #tpu.memory_space<vmem>> -> memref<1x128xi32, #tpu.memory_space<vmem>>
            %dma_start3A_73 = tpu.memref_squeeze %dma_start3A_72 : memref<1x128xi32, #tpu.memory_space<vmem>> -> memref<128xi32, #tpu.memory_space<vmem>>
            %dma_start3A_74 = arith.constant 0 : i32
            %dma_start3A_75 = arith.constant 0 : i32
            %dma_start3A_76 = tpu.memref_slice %arg2[%dma_start3A_74, %dma_start3A_75] : memref<10240x128xf32, #tpu.memory_space<hbm>> -> memref<10240x128xf32, #tpu.memory_space<hbm>>
            tpu.enqueue_indirect_dma source(%dma_start3A_76 : memref<10240x128xf32, #tpu.memory_space<hbm>>) target(%arg9 : memref<128x128xf32, #tpu.memory_space<vmem>>) offsets(%dma_start3A_73 : memref<128xi32, #tpu.memory_space<vmem>>) semaphore(%arg11 : memref<!tpu.dma_semaphore, #tpu.memory_space<semaphore_mem>>)
          } else {
          }
          %dma_wait3A_61 = arith.constant 0 : i32
          %dma_wait3A_62 = tpu.memref_slice %arg7[%add3A_43, %dma_wait3A_61] : memref<16x128xi32, #tpu.memory_space<vmem>> -> memref<1x128xi32, #tpu.memory_space<vmem>>
          %dma_wait3A_63 = tpu.memref_squeeze %dma_wait3A_62 : memref<1x128xi32, #tpu.memory_space<vmem>> -> memref<128xi32, #tpu.memory_space<vmem>>
          %dma_wait3A_64 = arith.constant 0 : i32
          %dma_wait3A_65 = arith.constant 0 : i32
          %dma_wait3A_66 = tpu.memref_slice %arg2[%dma_wait3A_64, %dma_wait3A_65] : memref<10240x128xf32, #tpu.memory_space<hbm>> -> memref<10240x128xf32, #tpu.memory_space<hbm>>
          tpu.wait_indirect_dma semaphore(%arg12 : memref<!tpu.dma_semaphore, #tpu.memory_space<semaphore_mem>>) src(%dma_wait3A_66 : memref<10240x128xf32, #tpu.memory_space<hbm>>) dst(%arg10 : memref<128x128xf32, #tpu.memory_space<vmem>>)
          %add3A_67 = arith.constant 1 : i32
          %add3A_68 = arith.addi %mul3A_41, %add3A_67 : i32
          "tpu.region"() ({
            %run_scoped3A = tpu.sem_alloc : memref<!tpu.dma_semaphore, #tpu.memory_space<semaphore_mem>>
            %dma_start3A_69 = arith.constant 0 : i32
            %dma_start3A_70 = tpu.memref_slice %arg8[%add3A_68, %dma_start3A_69] : memref<16x128xi32, #tpu.memory_space<vmem>> -> memref<1x128xi32, #tpu.memory_space<vmem>>
            %dma_start3A_71 = tpu.memref_squeeze %dma_start3A_70 : memref<1x128xi32, #tpu.memory_space<vmem>> -> memref<128xi32, #tpu.memory_space<vmem>>
            %dma_start3A_72 = arith.constant 0 : i32
            %dma_start3A_73 = arith.constant 0 : i32
            %dma_start3A_74 = tpu.memref_slice %arg13[%dma_start3A_72, %dma_start3A_73] : memref<10240x128xf32, #tpu.memory_space<vmem_shared>> -> memref<10240x128xf32, #tpu.memory_space<vmem_shared>>
            tpu.enqueue_indirect_dma source(%arg10 : memref<128x128xf32, #tpu.memory_space<vmem>>) target(%dma_start3A_74 : memref<10240x128xf32, #tpu.memory_space<vmem_shared>>) offsets(%dma_start3A_71 : memref<128xi32, #tpu.memory_space<vmem>>) semaphore(%run_scoped3A : memref<!tpu.dma_semaphore, #tpu.memory_space<semaphore_mem>>) {add = true}
            %dma_wait3A_75 = arith.constant 0 : i32
            %dma_wait3A_76 = tpu.memref_slice %arg8[%add3A_68, %dma_wait3A_75] : memref<16x128xi32, #tpu.memory_space<vmem>> -> memref<1x128xi32, #tpu.memory_space<vmem>>
            %dma_wait3A_77 = tpu.memref_squeeze %dma_wait3A_76 : memref<1x128xi32, #tpu.memory_space<vmem>> -> memref<128xi32, #tpu.memory_space<vmem>>
            %dma_wait3A_78 = arith.constant 0 : i32
            %dma_wait3A_79 = arith.constant 0 : i32
            %dma_wait3A_80 = tpu.memref_slice %arg13[%dma_wait3A_78, %dma_wait3A_79] : memref<10240x128xf32, #tpu.memory_space<vmem_shared>> -> memref<10240x128xf32, #tpu.memory_space<vmem_shared>>
            tpu.wait_indirect_dma semaphore(%run_scoped3A : memref<!tpu.dma_semaphore, #tpu.memory_space<semaphore_mem>>) src(%arg10 : memref<128x128xf32, #tpu.memory_space<vmem>>) dst(%dma_wait3A_80 : memref<10240x128xf32, #tpu.memory_space<vmem_shared>>)
            tpu.yield
          }) : () -> ()
        }
        %scan3A_34 = arith.constant 8 : i32
      }
      %scan3A_16 = arith.constant 10 : i32
    } else {
    }
    %barrier3A_7 = arith.constant 0 : index
    tpu.barrier barrier_id(%barrier3A_7)
    %eq3A_8 = arith.constant 0 : i32
    %eq3A_9 = arith.cmpi eq, %arg0, %eq3A_8 : i32
    %convert_element_type3A_10 = arith.extui %eq3A_9 : i1 to i32
    %cond3A_11 = arith.constant 0 : i32
    %cond3A_12 = arith.cmpi ne, %convert_element_type3A_10, %cond3A_11 : i32
    scf.if %cond3A_12 {
      %mul3A = arith.constant 640 : i32
      %mul3A_13 = arith.muli %arg1, %mul3A : i32
      %mul3A_14 = arith.constant 640 : i32
      %mul3A_15 = arith.muli %arg1, %mul3A_14 : i32
      "tpu.region"() ({
        %run_scoped3A = tpu.sem_alloc : memref<!tpu.dma_semaphore, #tpu.memory_space<semaphore_mem>>
        %dma_start3A = arith.constant 0 : i32
        %dma_start3A_16 = tpu.memref_slice %arg6[%mul3A_15, %dma_start3A] : memref<10240x128xf32, #tpu.memory_space<hbm>> -> memref<640x128xf32, #tpu.memory_space<hbm>>
        %dma_start3A_17 = arith.constant 0 : i32
        %dma_start3A_18 = tpu.memref_slice %arg13[%mul3A_13, %dma_start3A_17] : memref<10240x128xf32, #tpu.memory_space<vmem_shared>> -> memref<640x128xf32, #tpu.memory_space<vmem_shared>>
        tpu.enqueue_dma source(%dma_start3A_18 : memref<640x128xf32, #tpu.memory_space<vmem_shared>>) target(%dma_start3A_16 : memref<640x128xf32, #tpu.memory_space<hbm>>) target_semaphore(%run_scoped3A : memref<!tpu.dma_semaphore, #tpu.memory_space<semaphore_mem>>)
        %dma_wait3A = arith.constant 0 : i32
        %dma_wait3A_19 = tpu.memref_slice %arg6[%mul3A_15, %dma_wait3A] : memref<10240x128xf32, #tpu.memory_space<hbm>> -> memref<640x128xf32, #tpu.memory_space<hbm>>
        %dma_wait3A_20 = arith.constant 0 : i32
        %dma_wait3A_21 = tpu.memref_slice %arg13[%mul3A_13, %dma_wait3A_20] : memref<10240x128xf32, #tpu.memory_space<vmem_shared>> -> memref<640x128xf32, #tpu.memory_space<vmem_shared>>
        tpu.wait_dma2 semaphore(%run_scoped3A : memref<!tpu.dma_semaphore, #tpu.memory_space<semaphore_mem>>) src(%dma_wait3A_21 : memref<640x128xf32, #tpu.memory_space<vmem_shared>>) dst(%dma_wait3A_19 : memref<640x128xf32, #tpu.memory_space<hbm>>)
        tpu.yield
      }) : () -> ()
    } else {
    }
    return
  }
}

#map = affine_map<(d0, d1) -> (0, 0)>
#map1 = affine_map<(d0, d1) -> (0, 0, 0)>
module attributes {stable_mosaic.version = 14 : i64} {
  func.func @_sc_aggregate_body(%arg0: i32, %arg1: i32, %arg2: memref<10240x128xf32, #tpu.memory_space<hbm>>, %arg3: memref<16x160x128xi32, #tpu.memory_space<hbm>>, %arg4: memref<16x160x128xi32, #tpu.memory_space<hbm>>, %arg5: memref<128x128xf32, #tpu.memory_space<hbm>>, %arg6: memref<10240x128xf32, #tpu.memory_space<hbm>>, %arg7: memref<16x128xi32, #tpu.memory_space<vmem>>, %arg8: memref<16x128xi32, #tpu.memory_space<vmem>>, %arg9: memref<128x128xf32, #tpu.memory_space<vmem>>, %arg10: memref<128x128xf32, #tpu.memory_space<vmem>>, %arg11: memref<!tpu.dma_semaphore, #tpu.memory_space<semaphore_mem>>, %arg12: memref<!tpu.dma_semaphore, #tpu.memory_space<semaphore_mem>>, %arg13: memref<10240x128xf32, #tpu.memory_space<vmem_shared>>) attributes {dimension_semantics = [#tpu.dimension_semantics<core_parallel>, #tpu.dimension_semantics<subcore_parallel>], iteration_bounds = array<i64: 2, 16>, scalar_prefetch = 0 : i64, scratch_operands = 7 : i64, tpu.core_type = #tpu.core_type<sc_vector_subcore>, window_params = [{transform_indices = #map}, {transform_indices = #map1}, {transform_indices = #map1}, {transform_indices = #map}, {transform_indices = #map}]} {
    %eq3A = arith.constant 0 : i32
    %eq3A_0 = arith.cmpi eq, %arg0, %eq3A : i32
    %convert_element_type3A = arith.extui %eq3A_0 : i1 to i32
    %cond3A = arith.constant 0 : i32
    %cond3A_1 = arith.cmpi ne, %convert_element_type3A, %cond3A : i32
    scf.if %cond3A_1 {
      "tpu.region"() ({
        %run_scoped3A = tpu.sem_alloc : memref<!tpu.dma_semaphore, #tpu.memory_space<semaphore_mem>>
        tpu.enqueue_dma source(%arg5 : memref<128x128xf32, #tpu.memory_space<hbm>>) target(%arg9 : memref<128x128xf32, #tpu.memory_space<vmem>>) target_semaphore(%run_scoped3A : memref<!tpu.dma_semaphore, #tpu.memory_space<semaphore_mem>>)
        tpu.wait_dma2 semaphore(%run_scoped3A : memref<!tpu.dma_semaphore, #tpu.memory_space<semaphore_mem>>) src(%arg5 : memref<128x128xf32, #tpu.memory_space<hbm>>) dst(%arg9 : memref<128x128xf32, #tpu.memory_space<vmem>>)
        tpu.yield
      }) : () -> ()
      %scan3A = arith.constant 0 : i32
      %scan3A_13 = arith.constant 5 : i32
      %scan3A_14 = arith.addi %scan3A, %scan3A_13 : i32
      %scan3A_15 = arith.constant 1 : i32
      scf.for %scan3A_17 = %scan3A to %scan3A_14 step %scan3A_15  : i32 {
        %mul3A = arith.constant 1 : i32
        %mul3A_18 = arith.muli %scan3A_17, %mul3A : i32
        %add3A = arith.constant 0 : i32
        %add3A_19 = arith.addi %add3A, %mul3A_18 : i32
        %mul3A_20 = arith.constant 640 : i32
        %mul3A_21 = arith.muli %arg1, %mul3A_20 : i32
        %mul3A_22 = arith.constant 128 : i32
        %mul3A_23 = arith.muli %add3A_19, %mul3A_22 : i32
        %add3A_24 = arith.addi %mul3A_21, %mul3A_23 : i32
        "tpu.region"() ({
          %run_scoped3A = tpu.sem_alloc : memref<!tpu.dma_semaphore, #tpu.memory_space<semaphore_mem>>
          %dma_start3A = arith.constant 0 : i32
          %dma_start3A_25 = tpu.memref_slice %arg13[%add3A_24, %dma_start3A] : memref<10240x128xf32, #tpu.memory_space<vmem_shared>> -> memref<128x128xf32, #tpu.memory_space<vmem_shared>>
          %dma_start3A_26 = arith.constant 0 : i32
          %dma_start3A_27 = tpu.memref_slice %arg13[%add3A_24, %dma_start3A_26] : memref<10240x128xf32, #tpu.memory_space<vmem_shared>> -> memref<128x128xf32, #tpu.memory_space<vmem_shared>>
          tpu.enqueue_dma source(%arg9 : memref<128x128xf32, #tpu.memory_space<vmem>>) target(%dma_start3A_27 : memref<128x128xf32, #tpu.memory_space<vmem_shared>>) target_semaphore(%run_scoped3A : memref<!tpu.dma_semaphore, #tpu.memory_space<semaphore_mem>>)
          %dma_wait3A = arith.constant 0 : i32
          %dma_wait3A_28 = tpu.memref_slice %arg13[%add3A_24, %dma_wait3A] : memref<10240x128xf32, #tpu.memory_space<vmem_shared>> -> memref<128x128xf32, #tpu.memory_space<vmem_shared>>
          %dma_wait3A_29 = arith.constant 0 : i32
          %dma_wait3A_30 = tpu.memref_slice %arg13[%add3A_24, %dma_wait3A_29] : memref<10240x128xf32, #tpu.memory_space<vmem_shared>> -> memref<128x128xf32, #tpu.memory_space<vmem_shared>>
          tpu.wait_dma2 semaphore(%run_scoped3A : memref<!tpu.dma_semaphore, #tpu.memory_space<semaphore_mem>>) src(%arg9 : memref<128x128xf32, #tpu.memory_space<vmem>>) dst(%dma_wait3A_30 : memref<128x128xf32, #tpu.memory_space<vmem_shared>>)
          tpu.yield
        }) : () -> ()
      }
      %scan3A_16 = arith.constant 5 : i32
    } else {
    }
    %barrier3A = arith.constant 0 : index
    tpu.barrier barrier_id(%barrier3A)
    %eq3A_2 = arith.constant 0 : i32
    %eq3A_3 = arith.cmpi eq, %arg0, %eq3A_2 : i32
    %convert_element_type3A_4 = arith.extui %eq3A_3 : i1 to i32
    %cond3A_5 = arith.constant 0 : i32
    %cond3A_6 = arith.cmpi ne, %convert_element_type3A_4, %cond3A_5 : i32
    scf.if %cond3A_6 {
      %scan3A = arith.constant 0 : i32
      %scan3A_13 = arith.constant 10 : i32
      %scan3A_14 = arith.addi %scan3A, %scan3A_13 : i32
      %scan3A_15 = arith.constant 1 : i32
      scf.for %scan3A_17 = %scan3A to %scan3A_14 step %scan3A_15  : i32 {
        %mul3A = arith.constant 1 : i32
        %mul3A_18 = arith.muli %scan3A_17, %mul3A : i32
        %add3A = arith.constant 0 : i32
        %add3A_19 = arith.addi %add3A, %mul3A_18 : i32
        %mul3A_20 = arith.constant 16 : i32
        %mul3A_21 = arith.muli %add3A_19, %mul3A_20 : i32
        "tpu.region"() ({
          %run_scoped3A = tpu.sem_alloc : memref<!tpu.dma_semaphore, #tpu.memory_space<semaphore_mem>>
          %dma_start3A_35 = arith.constant 0 : i32
          %dma_start3A_36 = tpu.memref_slice %arg3[%arg1, %mul3A_21, %dma_start3A_35] : memref<16x160x128xi32, #tpu.memory_space<hbm>> -> memref<1x16x128xi32, #tpu.memory_space<hbm>>
          %dma_start3A_37 = tpu.memref_squeeze %dma_start3A_36 : memref<1x16x128xi32, #tpu.memory_space<hbm>> -> memref<16x128xi32, #tpu.memory_space<hbm>>
          %dma_start3A_38 = arith.constant 0 : i32
          %dma_start3A_39 = tpu.memref_slice %arg3[%arg1, %mul3A_21, %dma_start3A_38] : memref<16x160x128xi32, #tpu.memory_space<hbm>> -> memref<1x16x128xi32, #tpu.memory_space<hbm>>
          %dma_start3A_40 = tpu.memref_squeeze %dma_start3A_39 : memref<1x16x128xi32, #tpu.memory_space<hbm>> -> memref<16x128xi32, #tpu.memory_space<hbm>>
          tpu.enqueue_dma source(%dma_start3A_40 : memref<16x128xi32, #tpu.memory_space<hbm>>) target(%arg7 : memref<16x128xi32, #tpu.memory_space<vmem>>) target_semaphore(%run_scoped3A : memref<!tpu.dma_semaphore, #tpu.memory_space<semaphore_mem>>)
          %dma_wait3A = arith.constant 0 : i32
          %dma_wait3A_41 = tpu.memref_slice %arg3[%arg1, %mul3A_21, %dma_wait3A] : memref<16x160x128xi32, #tpu.memory_space<hbm>> -> memref<1x16x128xi32, #tpu.memory_space<hbm>>
          %dma_wait3A_42 = tpu.memref_squeeze %dma_wait3A_41 : memref<1x16x128xi32, #tpu.memory_space<hbm>> -> memref<16x128xi32, #tpu.memory_space<hbm>>
          %dma_wait3A_43 = arith.constant 0 : i32
          %dma_wait3A_44 = tpu.memref_slice %arg3[%arg1, %mul3A_21, %dma_wait3A_43] : memref<16x160x128xi32, #tpu.memory_space<hbm>> -> memref<1x16x128xi32, #tpu.memory_space<hbm>>
          %dma_wait3A_45 = tpu.memref_squeeze %dma_wait3A_44 : memref<1x16x128xi32, #tpu.memory_space<hbm>> -> memref<16x128xi32, #tpu.memory_space<hbm>>
          tpu.wait_dma2 semaphore(%run_scoped3A : memref<!tpu.dma_semaphore, #tpu.memory_space<semaphore_mem>>) src(%dma_wait3A_45 : memref<16x128xi32, #tpu.memory_space<hbm>>) dst(%arg7 : memref<16x128xi32, #tpu.memory_space<vmem>>)
          tpu.yield
        }) : () -> ()
        %mul3A_22 = arith.constant 16 : i32
        %mul3A_23 = arith.muli %add3A_19, %mul3A_22 : i32
        "tpu.region"() ({
          %run_scoped3A = tpu.sem_alloc : memref<!tpu.dma_semaphore, #tpu.memory_space<semaphore_mem>>
          %dma_start3A_35 = arith.constant 0 : i32
          %dma_start3A_36 = tpu.memref_slice %arg4[%arg1, %mul3A_23, %dma_start3A_35] : memref<16x160x128xi32, #tpu.memory_space<hbm>> -> memref<1x16x128xi32, #tpu.memory_space<hbm>>
          %dma_start3A_37 = tpu.memref_squeeze %dma_start3A_36 : memref<1x16x128xi32, #tpu.memory_space<hbm>> -> memref<16x128xi32, #tpu.memory_space<hbm>>
          %dma_start3A_38 = arith.constant 0 : i32
          %dma_start3A_39 = tpu.memref_slice %arg4[%arg1, %mul3A_23, %dma_start3A_38] : memref<16x160x128xi32, #tpu.memory_space<hbm>> -> memref<1x16x128xi32, #tpu.memory_space<hbm>>
          %dma_start3A_40 = tpu.memref_squeeze %dma_start3A_39 : memref<1x16x128xi32, #tpu.memory_space<hbm>> -> memref<16x128xi32, #tpu.memory_space<hbm>>
          tpu.enqueue_dma source(%dma_start3A_40 : memref<16x128xi32, #tpu.memory_space<hbm>>) target(%arg8 : memref<16x128xi32, #tpu.memory_space<vmem>>) target_semaphore(%run_scoped3A : memref<!tpu.dma_semaphore, #tpu.memory_space<semaphore_mem>>)
          %dma_wait3A = arith.constant 0 : i32
          %dma_wait3A_41 = tpu.memref_slice %arg4[%arg1, %mul3A_23, %dma_wait3A] : memref<16x160x128xi32, #tpu.memory_space<hbm>> -> memref<1x16x128xi32, #tpu.memory_space<hbm>>
          %dma_wait3A_42 = tpu.memref_squeeze %dma_wait3A_41 : memref<1x16x128xi32, #tpu.memory_space<hbm>> -> memref<16x128xi32, #tpu.memory_space<hbm>>
          %dma_wait3A_43 = arith.constant 0 : i32
          %dma_wait3A_44 = tpu.memref_slice %arg4[%arg1, %mul3A_23, %dma_wait3A_43] : memref<16x160x128xi32, #tpu.memory_space<hbm>> -> memref<1x16x128xi32, #tpu.memory_space<hbm>>
          %dma_wait3A_45 = tpu.memref_squeeze %dma_wait3A_44 : memref<1x16x128xi32, #tpu.memory_space<hbm>> -> memref<16x128xi32, #tpu.memory_space<hbm>>
          tpu.wait_dma2 semaphore(%run_scoped3A : memref<!tpu.dma_semaphore, #tpu.memory_space<semaphore_mem>>) src(%dma_wait3A_45 : memref<16x128xi32, #tpu.memory_space<hbm>>) dst(%arg8 : memref<16x128xi32, #tpu.memory_space<vmem>>)
          tpu.yield
        }) : () -> ()
        %dma_start3A = arith.constant 0 : i32
        %dma_start3A_24 = arith.constant 0 : i32
        %dma_start3A_25 = tpu.memref_slice %arg7[%dma_start3A, %dma_start3A_24] : memref<16x128xi32, #tpu.memory_space<vmem>> -> memref<1x128xi32, #tpu.memory_space<vmem>>
        %dma_start3A_26 = tpu.memref_squeeze %dma_start3A_25 : memref<1x128xi32, #tpu.memory_space<vmem>> -> memref<128xi32, #tpu.memory_space<vmem>>
        %dma_start3A_27 = arith.constant 0 : i32
        %dma_start3A_28 = arith.constant 0 : i32
        %dma_start3A_29 = tpu.memref_slice %arg2[%dma_start3A_27, %dma_start3A_28] : memref<10240x128xf32, #tpu.memory_space<hbm>> -> memref<10240x128xf32, #tpu.memory_space<hbm>>
        tpu.enqueue_indirect_dma source(%dma_start3A_29 : memref<10240x128xf32, #tpu.memory_space<hbm>>) target(%arg9 : memref<128x128xf32, #tpu.memory_space<vmem>>) offsets(%dma_start3A_26 : memref<128xi32, #tpu.memory_space<vmem>>) semaphore(%arg11 : memref<!tpu.dma_semaphore, #tpu.memory_space<semaphore_mem>>)
        %scan3A_30 = arith.constant 0 : i32
        %scan3A_31 = arith.constant 8 : i32
        %scan3A_32 = arith.addi %scan3A_30, %scan3A_31 : i32
        %scan3A_33 = arith.constant 1 : i32
        scf.for %scan3A_35 = %scan3A_30 to %scan3A_32 step %scan3A_33  : i32 {
          %mul3A_36 = arith.constant 1 : i32
          %mul3A_37 = arith.muli %scan3A_35, %mul3A_36 : i32
          %add3A_38 = arith.constant 0 : i32
          %add3A_39 = arith.addi %add3A_38, %mul3A_37 : i32
          %mul3A_40 = arith.constant 2 : i32
          %mul3A_41 = arith.muli %mul3A_40, %add3A_39 : i32
          %add3A_42 = arith.constant 1 : i32
          %add3A_43 = arith.addi %mul3A_41, %add3A_42 : i32
          %dma_start3A_44 = arith.constant 0 : i32
          %dma_start3A_45 = tpu.memref_slice %arg7[%add3A_43, %dma_start3A_44] : memref<16x128xi32, #tpu.memory_space<vmem>> -> memref<1x128xi32, #tpu.memory_space<vmem>>
          %dma_start3A_46 = tpu.memref_squeeze %dma_start3A_45 : memref<1x128xi32, #tpu.memory_space<vmem>> -> memref<128xi32, #tpu.memory_space<vmem>>
          %dma_start3A_47 = arith.constant 0 : i32
          %dma_start3A_48 = arith.constant 0 : i32
          %dma_start3A_49 = tpu.memref_slice %arg2[%dma_start3A_47, %dma_start3A_48] : memref<10240x128xf32, #tpu.memory_space<hbm>> -> memref<10240x128xf32, #tpu.memory_space<hbm>>
          tpu.enqueue_indirect_dma source(%dma_start3A_49 : memref<10240x128xf32, #tpu.memory_space<hbm>>) target(%arg10 : memref<128x128xf32, #tpu.memory_space<vmem>>) offsets(%dma_start3A_46 : memref<128xi32, #tpu.memory_space<vmem>>) semaphore(%arg12 : memref<!tpu.dma_semaphore, #tpu.memory_space<semaphore_mem>>)
          %dma_wait3A = arith.constant 0 : i32
          %dma_wait3A_50 = tpu.memref_slice %arg7[%mul3A_41, %dma_wait3A] : memref<16x128xi32, #tpu.memory_space<vmem>> -> memref<1x128xi32, #tpu.memory_space<vmem>>
          %dma_wait3A_51 = tpu.memref_squeeze %dma_wait3A_50 : memref<1x128xi32, #tpu.memory_space<vmem>> -> memref<128xi32, #tpu.memory_space<vmem>>
          %dma_wait3A_52 = arith.constant 0 : i32
          %dma_wait3A_53 = arith.constant 0 : i32
          %dma_wait3A_54 = tpu.memref_slice %arg2[%dma_wait3A_52, %dma_wait3A_53] : memref<10240x128xf32, #tpu.memory_space<hbm>> -> memref<10240x128xf32, #tpu.memory_space<hbm>>
          tpu.wait_indirect_dma semaphore(%arg11 : memref<!tpu.dma_semaphore, #tpu.memory_space<semaphore_mem>>) src(%dma_wait3A_54 : memref<10240x128xf32, #tpu.memory_space<hbm>>) dst(%arg9 : memref<128x128xf32, #tpu.memory_space<vmem>>)
          "tpu.region"() ({
            %run_scoped3A = tpu.sem_alloc : memref<!tpu.dma_semaphore, #tpu.memory_space<semaphore_mem>>
            %dma_start3A_69 = arith.constant 0 : i32
            %dma_start3A_70 = tpu.memref_slice %arg8[%mul3A_41, %dma_start3A_69] : memref<16x128xi32, #tpu.memory_space<vmem>> -> memref<1x128xi32, #tpu.memory_space<vmem>>
            %dma_start3A_71 = tpu.memref_squeeze %dma_start3A_70 : memref<1x128xi32, #tpu.memory_space<vmem>> -> memref<128xi32, #tpu.memory_space<vmem>>
            %dma_start3A_72 = arith.constant 0 : i32
            %dma_start3A_73 = arith.constant 0 : i32
            %dma_start3A_74 = tpu.memref_slice %arg13[%dma_start3A_72, %dma_start3A_73] : memref<10240x128xf32, #tpu.memory_space<vmem_shared>> -> memref<10240x128xf32, #tpu.memory_space<vmem_shared>>
            tpu.enqueue_indirect_dma source(%arg9 : memref<128x128xf32, #tpu.memory_space<vmem>>) target(%dma_start3A_74 : memref<10240x128xf32, #tpu.memory_space<vmem_shared>>) offsets(%dma_start3A_71 : memref<128xi32, #tpu.memory_space<vmem>>) semaphore(%run_scoped3A : memref<!tpu.dma_semaphore, #tpu.memory_space<semaphore_mem>>) {add = true}
            %dma_wait3A_75 = arith.constant 0 : i32
            %dma_wait3A_76 = tpu.memref_slice %arg8[%mul3A_41, %dma_wait3A_75] : memref<16x128xi32, #tpu.memory_space<vmem>> -> memref<1x128xi32, #tpu.memory_space<vmem>>
            %dma_wait3A_77 = tpu.memref_squeeze %dma_wait3A_76 : memref<1x128xi32, #tpu.memory_space<vmem>> -> memref<128xi32, #tpu.memory_space<vmem>>
            %dma_wait3A_78 = arith.constant 0 : i32
            %dma_wait3A_79 = arith.constant 0 : i32
            %dma_wait3A_80 = tpu.memref_slice %arg13[%dma_wait3A_78, %dma_wait3A_79] : memref<10240x128xf32, #tpu.memory_space<vmem_shared>> -> memref<10240x128xf32, #tpu.memory_space<vmem_shared>>
            tpu.wait_indirect_dma semaphore(%run_scoped3A : memref<!tpu.dma_semaphore, #tpu.memory_space<semaphore_mem>>) src(%arg9 : memref<128x128xf32, #tpu.memory_space<vmem>>) dst(%dma_wait3A_80 : memref<10240x128xf32, #tpu.memory_space<vmem_shared>>)
            tpu.yield
          }) : () -> ()
          %add3A_55 = arith.constant 2 : i32
          %add3A_56 = arith.addi %mul3A_41, %add3A_55 : i32
          %lt3A = arith.constant 16 : i32
          %lt3A_57 = arith.cmpi slt, %add3A_56, %lt3A : i32
          %convert_element_type3A_58 = arith.extui %lt3A_57 : i1 to i32
          %cond3A_59 = arith.constant 0 : i32
          %cond3A_60 = arith.cmpi ne, %convert_element_type3A_58, %cond3A_59 : i32
          scf.if %cond3A_60 {
            %add3A_69 = arith.constant 2 : i32
            %add3A_70 = arith.addi %mul3A_41, %add3A_69 : i32
            %dma_start3A_71 = arith.constant 0 : i32
            %dma_start3A_72 = tpu.memref_slice %arg7[%add3A_70, %dma_start3A_71] : memref<16x128xi32, #tpu.memory_space<vmem>> -> memref<1x128xi32, #tpu.memory_space<vmem>>
            %dma_start3A_73 = tpu.memref_squeeze %dma_start3A_72 : memref<1x128xi32, #tpu.memory_space<vmem>> -> memref<128xi32, #tpu.memory_space<vmem>>
            %dma_start3A_74 = arith.constant 0 : i32
            %dma_start3A_75 = arith.constant 0 : i32
            %dma_start3A_76 = tpu.memref_slice %arg2[%dma_start3A_74, %dma_start3A_75] : memref<10240x128xf32, #tpu.memory_space<hbm>> -> memref<10240x128xf32, #tpu.memory_space<hbm>>
            tpu.enqueue_indirect_dma source(%dma_start3A_76 : memref<10240x128xf32, #tpu.memory_space<hbm>>) target(%arg9 : memref<128x128xf32, #tpu.memory_space<vmem>>) offsets(%dma_start3A_73 : memref<128xi32, #tpu.memory_space<vmem>>) semaphore(%arg11 : memref<!tpu.dma_semaphore, #tpu.memory_space<semaphore_mem>>)
          } else {
          }
          %dma_wait3A_61 = arith.constant 0 : i32
          %dma_wait3A_62 = tpu.memref_slice %arg7[%add3A_43, %dma_wait3A_61] : memref<16x128xi32, #tpu.memory_space<vmem>> -> memref<1x128xi32, #tpu.memory_space<vmem>>
          %dma_wait3A_63 = tpu.memref_squeeze %dma_wait3A_62 : memref<1x128xi32, #tpu.memory_space<vmem>> -> memref<128xi32, #tpu.memory_space<vmem>>
          %dma_wait3A_64 = arith.constant 0 : i32
          %dma_wait3A_65 = arith.constant 0 : i32
          %dma_wait3A_66 = tpu.memref_slice %arg2[%dma_wait3A_64, %dma_wait3A_65] : memref<10240x128xf32, #tpu.memory_space<hbm>> -> memref<10240x128xf32, #tpu.memory_space<hbm>>
          tpu.wait_indirect_dma semaphore(%arg12 : memref<!tpu.dma_semaphore, #tpu.memory_space<semaphore_mem>>) src(%dma_wait3A_66 : memref<10240x128xf32, #tpu.memory_space<hbm>>) dst(%arg10 : memref<128x128xf32, #tpu.memory_space<vmem>>)
          %add3A_67 = arith.constant 1 : i32
          %add3A_68 = arith.addi %mul3A_41, %add3A_67 : i32
          "tpu.region"() ({
            %run_scoped3A = tpu.sem_alloc : memref<!tpu.dma_semaphore, #tpu.memory_space<semaphore_mem>>
            %dma_start3A_69 = arith.constant 0 : i32
            %dma_start3A_70 = tpu.memref_slice %arg8[%add3A_68, %dma_start3A_69] : memref<16x128xi32, #tpu.memory_space<vmem>> -> memref<1x128xi32, #tpu.memory_space<vmem>>
            %dma_start3A_71 = tpu.memref_squeeze %dma_start3A_70 : memref<1x128xi32, #tpu.memory_space<vmem>> -> memref<128xi32, #tpu.memory_space<vmem>>
            %dma_start3A_72 = arith.constant 0 : i32
            %dma_start3A_73 = arith.constant 0 : i32
            %dma_start3A_74 = tpu.memref_slice %arg13[%dma_start3A_72, %dma_start3A_73] : memref<10240x128xf32, #tpu.memory_space<vmem_shared>> -> memref<10240x128xf32, #tpu.memory_space<vmem_shared>>
            tpu.enqueue_indirect_dma source(%arg10 : memref<128x128xf32, #tpu.memory_space<vmem>>) target(%dma_start3A_74 : memref<10240x128xf32, #tpu.memory_space<vmem_shared>>) offsets(%dma_start3A_71 : memref<128xi32, #tpu.memory_space<vmem>>) semaphore(%run_scoped3A : memref<!tpu.dma_semaphore, #tpu.memory_space<semaphore_mem>>) {add = true}
            %dma_wait3A_75 = arith.constant 0 : i32
            %dma_wait3A_76 = tpu.memref_slice %arg8[%add3A_68, %dma_wait3A_75] : memref<16x128xi32, #tpu.memory_space<vmem>> -> memref<1x128xi32, #tpu.memory_space<vmem>>
            %dma_wait3A_77 = tpu.memref_squeeze %dma_wait3A_76 : memref<1x128xi32, #tpu.memory_space<vmem>> -> memref<128xi32, #tpu.memory_space<vmem>>
            %dma_wait3A_78 = arith.constant 0 : i32
            %dma_wait3A_79 = arith.constant 0 : i32
            %dma_wait3A_80 = tpu.memref_slice %arg13[%dma_wait3A_78, %dma_wait3A_79] : memref<10240x128xf32, #tpu.memory_space<vmem_shared>> -> memref<10240x128xf32, #tpu.memory_space<vmem_shared>>
            tpu.wait_indirect_dma semaphore(%run_scoped3A : memref<!tpu.dma_semaphore, #tpu.memory_space<semaphore_mem>>) src(%arg10 : memref<128x128xf32, #tpu.memory_space<vmem>>) dst(%dma_wait3A_80 : memref<10240x128xf32, #tpu.memory_space<vmem_shared>>)
            tpu.yield
          }) : () -> ()
        }
        %scan3A_34 = arith.constant 8 : i32
      }
      %scan3A_16 = arith.constant 10 : i32
    } else {
    }
    %barrier3A_7 = arith.constant 0 : index
    tpu.barrier barrier_id(%barrier3A_7)
    %eq3A_8 = arith.constant 0 : i32
    %eq3A_9 = arith.cmpi eq, %arg0, %eq3A_8 : i32
    %convert_element_type3A_10 = arith.extui %eq3A_9 : i1 to i32
    %cond3A_11 = arith.constant 0 : i32
    %cond3A_12 = arith.cmpi ne, %convert_element_type3A_10, %cond3A_11 : i32
    scf.if %cond3A_12 {
      %mul3A = arith.constant 640 : i32
      %mul3A_13 = arith.muli %arg1, %mul3A : i32
      %mul3A_14 = arith.constant 640 : i32
      %mul3A_15 = arith.muli %arg1, %mul3A_14 : i32
      "tpu.region"() ({
        %run_scoped3A = tpu.sem_alloc : memref<!tpu.dma_semaphore, #tpu.memory_space<semaphore_mem>>
        %dma_start3A = arith.constant 0 : i32
        %dma_start3A_16 = tpu.memref_slice %arg6[%mul3A_15, %dma_start3A] : memref<10240x128xf32, #tpu.memory_space<hbm>> -> memref<640x128xf32, #tpu.memory_space<hbm>>
        %dma_start3A_17 = arith.constant 0 : i32
        %dma_start3A_18 = tpu.memref_slice %arg13[%mul3A_13, %dma_start3A_17] : memref<10240x128xf32, #tpu.memory_space<vmem_shared>> -> memref<640x128xf32, #tpu.memory_space<vmem_shared>>
        tpu.enqueue_dma source(%dma_start3A_18 : memref<640x128xf32, #tpu.memory_space<vmem_shared>>) target(%dma_start3A_16 : memref<640x128xf32, #tpu.memory_space<hbm>>) target_semaphore(%run_scoped3A : memref<!tpu.dma_semaphore, #tpu.memory_space<semaphore_mem>>)
        %dma_wait3A = arith.constant 0 : i32
        %dma_wait3A_19 = tpu.memref_slice %arg6[%mul3A_15, %dma_wait3A] : memref<10240x128xf32, #tpu.memory_space<hbm>> -> memref<640x128xf32, #tpu.memory_space<hbm>>
        %dma_wait3A_20 = arith.constant 0 : i32
        %dma_wait3A_21 = tpu.memref_slice %arg13[%mul3A_13, %dma_wait3A_20] : memref<10240x128xf32, #tpu.memory_space<vmem_shared>> -> memref<640x128xf32, #tpu.memory_space<vmem_shared>>
        tpu.wait_dma2 semaphore(%run_scoped3A : memref<!tpu.dma_semaphore, #tpu.memory_space<semaphore_mem>>) src(%dma_wait3A_21 : memref<640x128xf32, #tpu.memory_space<vmem_shared>>) dst(%dma_wait3A_19 : memref<640x128xf32, #tpu.memory_space<hbm>>)
        tpu.yield
      }) : () -> ()
    } else {
    }
    return
  }
}

#map = affine_map<(d0, d1) -> (0, 0, 0)>
#map1 = affine_map<(d0, d1) -> (0, 0)>
module attributes {stable_mosaic.version = 14 : i64} {
  func.func @_sc_degree_body(%arg0: i32, %arg1: i32, %arg2: memref<32x80x128xi32, #tpu.memory_space<hbm>>, %arg3: memref<32x10240xf32, #tpu.memory_space<hbm>>, %arg4: memref<80x128xi32, #tpu.memory_space<vmem>>, %arg5: memref<10240xf32, #tpu.memory_space<vmem>>) attributes {dimension_semantics = [#tpu.dimension_semantics<core_parallel>, #tpu.dimension_semantics<subcore_parallel>], iteration_bounds = array<i64: 2, 16>, scalar_prefetch = 0 : i64, scratch_operands = 2 : i64, tpu.core_type = #tpu.core_type<sc_vector_subcore>, window_params = [{transform_indices = #map}, {transform_indices = #map1}]} {
    %mul3A = arith.constant 16 : i32
    %mul3A_0 = arith.muli %arg0, %mul3A : i32
    %add3A = arith.addi %mul3A_0, %arg1 : i32
    "tpu.region"() ({
      %run_scoped3A = tpu.sem_alloc : memref<!tpu.dma_semaphore, #tpu.memory_space<semaphore_mem>>
      %dma_start3A = arith.constant 0 : i32
      %dma_start3A_11 = arith.constant 0 : i32
      %dma_start3A_12 = tpu.memref_slice %arg2[%add3A, %dma_start3A, %dma_start3A_11] : memref<32x80x128xi32, #tpu.memory_space<hbm>> -> memref<1x80x128xi32, #tpu.memory_space<hbm>>
      %dma_start3A_13 = tpu.memref_squeeze %dma_start3A_12 : memref<1x80x128xi32, #tpu.memory_space<hbm>> -> memref<80x128xi32, #tpu.memory_space<hbm>>
      %dma_start3A_14 = arith.constant 0 : i32
      %dma_start3A_15 = arith.constant 0 : i32
      %dma_start3A_16 = tpu.memref_slice %arg2[%add3A, %dma_start3A_14, %dma_start3A_15] : memref<32x80x128xi32, #tpu.memory_space<hbm>> -> memref<1x80x128xi32, #tpu.memory_space<hbm>>
      %dma_start3A_17 = tpu.memref_squeeze %dma_start3A_16 : memref<1x80x128xi32, #tpu.memory_space<hbm>> -> memref<80x128xi32, #tpu.memory_space<hbm>>
      tpu.enqueue_dma source(%dma_start3A_17 : memref<80x128xi32, #tpu.memory_space<hbm>>) target(%arg4 : memref<80x128xi32, #tpu.memory_space<vmem>>) target_semaphore(%run_scoped3A : memref<!tpu.dma_semaphore, #tpu.memory_space<semaphore_mem>>)
      %dma_wait3A = arith.constant 0 : i32
      %dma_wait3A_18 = arith.constant 0 : i32
      %dma_wait3A_19 = tpu.memref_slice %arg2[%add3A, %dma_wait3A, %dma_wait3A_18] : memref<32x80x128xi32, #tpu.memory_space<hbm>> -> memref<1x80x128xi32, #tpu.memory_space<hbm>>
      %dma_wait3A_20 = tpu.memref_squeeze %dma_wait3A_19 : memref<1x80x128xi32, #tpu.memory_space<hbm>> -> memref<80x128xi32, #tpu.memory_space<hbm>>
      %dma_wait3A_21 = arith.constant 0 : i32
      %dma_wait3A_22 = arith.constant 0 : i32
      %dma_wait3A_23 = tpu.memref_slice %arg2[%add3A, %dma_wait3A_21, %dma_wait3A_22] : memref<32x80x128xi32, #tpu.memory_space<hbm>> -> memref<1x80x128xi32, #tpu.memory_space<hbm>>
      %dma_wait3A_24 = tpu.memref_squeeze %dma_wait3A_23 : memref<1x80x128xi32, #tpu.memory_space<hbm>> -> memref<80x128xi32, #tpu.memory_space<hbm>>
      tpu.wait_dma2 semaphore(%run_scoped3A : memref<!tpu.dma_semaphore, #tpu.memory_space<semaphore_mem>>) src(%dma_wait3A_24 : memref<80x128xi32, #tpu.memory_space<hbm>>) dst(%arg4 : memref<80x128xi32, #tpu.memory_space<vmem>>)
      tpu.yield
    }) : () -> ()
    %scan3A = arith.constant 0 : i32
    %scan3A_1 = arith.constant 640 : i32
    %scan3A_2 = arith.addi %scan3A, %scan3A_1 : i32
    %scan3A_3 = arith.constant 1 : i32
    scf.for %scan3A_11 = %scan3A to %scan3A_2 step %scan3A_3  : i32 {
      %mul3A_12 = arith.constant 16 : i32
      %mul3A_13 = arith.muli %scan3A_11, %mul3A_12 : i32
      %add3A_14 = arith.constant 0 : i32
      %add3A_15 = arith.addi %add3A_14, %mul3A_13 : i32
      %broadcast_in_dim3A_16 = arith.constant 0.000000e+00 : f32
      %broadcast_in_dim3A_17 = vector.broadcast %broadcast_in_dim3A_16 : f32 to vector<16xf32>
      %swap3A = arith.index_cast %add3A_15 : i32 to index
      %swap3A_18 = tpu.vector_load %arg5[%swap3A] {strides = array<i32>} : memref<10240xf32, #tpu.memory_space<vmem>>, vector<16xf32>,
      tpu.vector_store %arg5[%swap3A], %broadcast_in_dim3A_17 {strides = array<i32>} : memref<10240xf32, #tpu.memory_space<vmem>>, vector<16xf32>,
    }
    %scan3A_4 = arith.constant 640 : i32
    %broadcast_in_dim3A = arith.constant 1.000000e+00 : f32
    %broadcast_in_dim3A_5 = vector.broadcast %broadcast_in_dim3A : f32 to vector<16xf32>
    %scan3A_6 = arith.constant 0 : i32
    %scan3A_7 = arith.constant 80 : i32
    %scan3A_8 = arith.addi %scan3A_6, %scan3A_7 : i32
    %scan3A_9 = arith.constant 1 : i32
    scf.for %scan3A_11 = %scan3A_6 to %scan3A_8 step %scan3A_9  : i32 {
      %mul3A_12 = arith.constant 1 : i32
      %mul3A_13 = arith.muli %scan3A_11, %mul3A_12 : i32
      %add3A_14 = arith.constant 0 : i32
      %add3A_15 = arith.addi %add3A_14, %mul3A_13 : i32
      %get3A = arith.index_cast %add3A_15 : i32 to index
      %get3A_16 = arith.constant 0 : index
      %get3A_17 = tpu.vector_load %arg4[%get3A, %get3A_16] {strides = array<i32>} : memref<80x128xi32, #tpu.memory_space<vmem>>, vector<16xi32>,
      tpu.vector_store_idx %arg5[%get3A_17], %broadcast_in_dim3A_5 {add = true} : memref<10240xf32, #tpu.memory_space<vmem>>[vector<16xi32>], vector<16xf32>,
      %get3A_18 = arith.index_cast %add3A_15 : i32 to index
      %get3A_19 = arith.constant 16 : index
      %get3A_20 = tpu.vector_load %arg4[%get3A_18, %get3A_19] {strides = array<i32>} : memref<80x128xi32, #tpu.memory_space<vmem>>, vector<16xi32>,
      tpu.vector_store_idx %arg5[%get3A_20], %broadcast_in_dim3A_5 {add = true} : memref<10240xf32, #tpu.memory_space<vmem>>[vector<16xi32>], vector<16xf32>,
      %get3A_21 = arith.index_cast %add3A_15 : i32 to index
      %get3A_22 = arith.constant 32 : index
      %get3A_23 = tpu.vector_load %arg4[%get3A_21, %get3A_22] {strides = array<i32>} : memref<80x128xi32, #tpu.memory_space<vmem>>, vector<16xi32>,
      tpu.vector_store_idx %arg5[%get3A_23], %broadcast_in_dim3A_5 {add = true} : memref<10240xf32, #tpu.memory_space<vmem>>[vector<16xi32>], vector<16xf32>,
      %get3A_24 = arith.index_cast %add3A_15 : i32 to index
      %get3A_25 = arith.constant 48 : index
      %get3A_26 = tpu.vector_load %arg4[%get3A_24, %get3A_25] {strides = array<i32>} : memref<80x128xi32, #tpu.memory_space<vmem>>, vector<16xi32>,
      tpu.vector_store_idx %arg5[%get3A_26], %broadcast_in_dim3A_5 {add = true} : memref<10240xf32, #tpu.memory_space<vmem>>[vector<16xi32>], vector<16xf32>,
      %get3A_27 = arith.index_cast %add3A_15 : i32 to index
      %get3A_28 = arith.constant 64 : index
      %get3A_29 = tpu.vector_load %arg4[%get3A_27, %get3A_28] {strides = array<i32>} : memref<80x128xi32, #tpu.memory_space<vmem>>, vector<16xi32>,
      tpu.vector_store_idx %arg5[%get3A_29], %broadcast_in_dim3A_5 {add = true} : memref<10240xf32, #tpu.memory_space<vmem>>[vector<16xi32>], vector<16xf32>,
      %get3A_30 = arith.index_cast %add3A_15 : i32 to index
      %get3A_31 = arith.constant 80 : index
      %get3A_32 = tpu.vector_load %arg4[%get3A_30, %get3A_31] {strides = array<i32>} : memref<80x128xi32, #tpu.memory_space<vmem>>, vector<16xi32>,
      tpu.vector_store_idx %arg5[%get3A_32], %broadcast_in_dim3A_5 {add = true} : memref<10240xf32, #tpu.memory_space<vmem>>[vector<16xi32>], vector<16xf32>,
      %get3A_33 = arith.index_cast %add3A_15 : i32 to index
      %get3A_34 = arith.constant 96 : index
      %get3A_35 = tpu.vector_load %arg4[%get3A_33, %get3A_34] {strides = array<i32>} : memref<80x128xi32, #tpu.memory_space<vmem>>, vector<16xi32>,
      tpu.vector_store_idx %arg5[%get3A_35], %broadcast_in_dim3A_5 {add = true} : memref<10240xf32, #tpu.memory_space<vmem>>[vector<16xi32>], vector<16xf32>,
      %get3A_36 = arith.index_cast %add3A_15 : i32 to index
      %get3A_37 = arith.constant 112 : index
      %get3A_38 = tpu.vector_load %arg4[%get3A_36, %get3A_37] {strides = array<i32>} : memref<80x128xi32, #tpu.memory_space<vmem>>, vector<16xi32>,
      tpu.vector_store_idx %arg5[%get3A_38], %broadcast_in_dim3A_5 {add = true} : memref<10240xf32, #tpu.memory_space<vmem>>[vector<16xi32>], vector<16xf32>,
    }
    %scan3A_10 = arith.constant 80 : i32
    "tpu.region"() ({
      %run_scoped3A = tpu.sem_alloc : memref<!tpu.dma_semaphore, #tpu.memory_space<semaphore_mem>>
      %dma_start3A = arith.constant 0 : i32
      %dma_start3A_11 = tpu.memref_slice %arg3[%add3A, %dma_start3A] : memref<32x10240xf32, #tpu.memory_space<hbm>> -> memref<1x10240xf32, #tpu.memory_space<hbm>>
      %dma_start3A_12 = tpu.memref_squeeze %dma_start3A_11 : memref<1x10240xf32, #tpu.memory_space<hbm>> -> memref<10240xf32, #tpu.memory_space<hbm>>
      %dma_start3A_13 = arith.constant 0 : i32
      %dma_start3A_14 = tpu.memref_slice %arg3[%add3A, %dma_start3A_13] : memref<32x10240xf32, #tpu.memory_space<hbm>> -> memref<1x10240xf32, #tpu.memory_space<hbm>>
      %dma_start3A_15 = tpu.memref_squeeze %dma_start3A_14 : memref<1x10240xf32, #tpu.memory_space<hbm>> -> memref<10240xf32, #tpu.memory_space<hbm>>
      tpu.enqueue_dma source(%arg5 : memref<10240xf32, #tpu.memory_space<vmem>>) target(%dma_start3A_15 : memref<10240xf32, #tpu.memory_space<hbm>>) target_semaphore(%run_scoped3A : memref<!tpu.dma_semaphore, #tpu.memory_space<semaphore_mem>>)
      %dma_wait3A = arith.constant 0 : i32
      %dma_wait3A_16 = tpu.memref_slice %arg3[%add3A, %dma_wait3A] : memref<32x10240xf32, #tpu.memory_space<hbm>> -> memref<1x10240xf32, #tpu.memory_space<hbm>>
      %dma_wait3A_17 = tpu.memref_squeeze %dma_wait3A_16 : memref<1x10240xf32, #tpu.memory_space<hbm>> -> memref<10240xf32, #tpu.memory_space<hbm>>
      %dma_wait3A_18 = arith.constant 0 : i32
      %dma_wait3A_19 = tpu.memref_slice %arg3[%add3A, %dma_wait3A_18] : memref<32x10240xf32, #tpu.memory_space<hbm>> -> memref<1x10240xf32, #tpu.memory_space<hbm>>
      %dma_wait3A_20 = tpu.memref_squeeze %dma_wait3A_19 : memref<1x10240xf32, #tpu.memory_space<hbm>> -> memref<10240xf32, #tpu.memory_space<hbm>>
      tpu.wait_dma2 semaphore(%run_scoped3A : memref<!tpu.dma_semaphore, #tpu.memory_space<semaphore_mem>>) src(%arg5 : memref<10240xf32, #tpu.memory_space<vmem>>) dst(%dma_wait3A_20 : memref<10240xf32, #tpu.memory_space<hbm>>)
      tpu.yield
    }) : () -> ()
    return
  }
}

module attributes {stable_mosaic.version = 14 : i64} {
  func.func @_mm_scale_body(%arg0: i32, %arg1: memref<1024x128xf32, #tpu.memory_space<vmem>>, %arg2: memref<128x128xf32, #tpu.memory_space<vmem>>, %arg3: memref<32x1024xf32, #tpu.memory_space<vmem>>, %arg4: memref<1024x128xf32, #tpu.memory_space<vmem>>, %arg5: memref<1024x128xf32, #tpu.memory_space<vmem>>) attributes {dimension_semantics = [#tpu.dimension_semantics<arbitrary>], iteration_bounds = array<i64: 10>, scalar_prefetch = 0 : i64, scratch_operands = 0 : i64, tpu.core_type = #tpu.core_type<tc>, window_params = [{transform_indices = @transform_0, window_bounds = array<i64: 1024, 128>}, {pipeline_mode = #tpu.pipeline_mode<synchronous>, transform_indices = @transform_1, window_bounds = array<i64: 128, 128>}, {transform_indices = @transform_2, window_bounds = array<i64: 32, 1024>}, {transform_indices = @transform_3, window_bounds = array<i64: 1024, 128>}, {transform_indices = @transform_4, window_bounds = array<i64: 1024, 128>}]} {
    %broadcast_in_dim3A = arith.constant 1.000000e+00 : f32
    %broadcast_in_dim3A_0 = vector.broadcast %broadcast_in_dim3A : f32 to vector<32x1xf32>
    %get3A = arith.constant 0 : index
    %get3A_1 = arith.constant 0 : index
    %get3A_2 = vector.load %arg3[%get3A, %get3A_1] : memref<32x1024xf32, #tpu.memory_space<vmem>>, vector<32x1024xf32>
    %dot_general3A = arith.constant dense<0.000000e+00> : vector<1024x1xf32>
    %dot_general3A_3 = tpu.matmul %get3A_2, %broadcast_in_dim3A_0, %dot_general3A {dimension_numbers = #tpu.dot_dimension_numbers<[0], [0], [1], [1], [0, 1, 1, 1], [], []>, transpose_lhs_hint = false} : vector<32x1024xf32>, vector<32x1xf32>, vector<1024x1xf32> -> vector<1024x1xf32>
    %add3A = arith.constant 1.000000e+00 : f32
    %add3A_4 = vector.broadcast %add3A : f32 to vector<1024x1xf32>
    %add3A_5 = arith.addf %add3A_4, %dot_general3A_3 : vector<1024x1xf32>
    %rsqrt3A = math.rsqrt %add3A_5 : vector<1024x1xf32>
    %broadcast_in_dim3A_6 = vector.shape_cast %rsqrt3A : vector<1024x1xf32> to vector<1024x1xf32>
    %broadcast_in_dim3A_7 = vector.broadcast %broadcast_in_dim3A_6 : vector<1024x1xf32> to vector<1024x128xf32>
    %swap3A = arith.constant 0 : index
    %swap3A_8 = arith.constant 0 : index
    %swap3A_9 = vector.load %arg5[%swap3A, %swap3A_8] : memref<1024x128xf32, #tpu.memory_space<vmem>>, vector<1024x128xf32>
    tpu.vector_store %arg5[%swap3A, %swap3A_8], %broadcast_in_dim3A_7 {strides = array<i32>} : memref<1024x128xf32, #tpu.memory_space<vmem>>, vector<1024x128xf32>,
    %get3A_10 = arith.constant 0 : index
    %get3A_11 = arith.constant 0 : index
    %get3A_12 = vector.load %arg1[%get3A_10, %get3A_11] : memref<1024x128xf32, #tpu.memory_space<vmem>>, vector<1024x128xf32>
    %get3A_13 = arith.constant 0 : index
    %get3A_14 = arith.constant 0 : index
    %get3A_15 = vector.load %arg2[%get3A_13, %get3A_14] : memref<128x128xf32, #tpu.memory_space<vmem>>, vector<128x128xf32>
    %dot_general3A_16 = arith.constant dense<0.000000e+00> : vector<1024x128xf32>
    %dot_general3A_17 = tpu.matmul %get3A_12, %get3A_15, %dot_general3A_16 {dimension_numbers = #tpu.dot_dimension_numbers<[1], [0], [0], [1], [0, 0, 1, 1], [], []>, transpose_lhs_hint = false} : vector<1024x128xf32>, vector<128x128xf32>, vector<1024x128xf32> -> vector<1024x128xf32>
    %mul3A = arith.mulf %broadcast_in_dim3A_7, %dot_general3A_17 : vector<1024x128xf32>
    %swap3A_18 = arith.constant 0 : index
    %swap3A_19 = arith.constant 0 : index
    %swap3A_20 = vector.load %arg4[%swap3A_18, %swap3A_19] : memref<1024x128xf32, #tpu.memory_space<vmem>>, vector<1024x128xf32>
    tpu.vector_store %arg4[%swap3A_18, %swap3A_19], %mul3A {strides = array<i32>} : memref<1024x128xf32, #tpu.memory_space<vmem>>, vector<1024x128xf32>,
    return
  }
  func.func @transform_0(%arg0: i32) -> (i32, i32) {
    %c0_i32 = arith.constant 0 : i32
    %c0_i32_0 = arith.constant 0 : i32
    return %arg0, %c0_i32 : i32, i32
  }
  func.func @transform_1(%arg0: i32) -> (i32, i32) {
    %c0_i32 = arith.constant 0 : i32
    %c0_i32_0 = arith.constant 0 : i32
    %c0_i32_1 = arith.constant 0 : i32
    return %c0_i32, %c0_i32_0 : i32, i32
  }
  func.func @transform_2(%arg0: i32) -> (i32, i32) {
    %c0_i32 = arith.constant 0 : i32
    %c0_i32_0 = arith.constant 0 : i32
    return %c0_i32, %arg0 : i32, i32
  }
  func.func @transform_3(%arg0: i32) -> (i32, i32) {
    %c0_i32 = arith.constant 0 : i32
    %c0_i32_0 = arith.constant 0 : i32
    return %arg0, %c0_i32 : i32, i32
  }
  func.func @transform_4(%arg0: i32) -> (i32, i32) {
    %c0_i32 = arith.constant 0 : i32
    %c0_i32_0 = arith.constant 0 : i32
    return %arg0, %c0_i32 : i32, i32
  }
}

module attributes {stable_mosaic.version = 14 : i64} {
  func.func @_combine_body(%arg0: i32, %arg1: memref<1024x128xf32, #tpu.memory_space<vmem>>, %arg2: memref<1024x128xf32, #tpu.memory_space<vmem>>, %arg3: memref<1024x128xf32, #tpu.memory_space<vmem>>, %arg4: memref<1x128xf32, #tpu.memory_space<vmem>>, %arg5: memref<128x128xf32, #tpu.memory_space<vmem>>, %arg6: memref<1024x128xf32, #tpu.memory_space<vmem>>) attributes {dimension_semantics = [#tpu.dimension_semantics<arbitrary>], iteration_bounds = array<i64: 10>, scalar_prefetch = 0 : i64, scratch_operands = 0 : i64, tpu.core_type = #tpu.core_type<tc>, window_params = [{transform_indices = @transform_0, window_bounds = array<i64: 1024, 128>}, {transform_indices = @transform_1, window_bounds = array<i64: 1024, 128>}, {transform_indices = @transform_2, window_bounds = array<i64: 1024, 128>}, {pipeline_mode = #tpu.pipeline_mode<synchronous>, transform_indices = @transform_3, window_bounds = array<i64: 1, 128>}, {pipeline_mode = #tpu.pipeline_mode<synchronous>, transform_indices = @transform_4, window_bounds = array<i64: 128, 128>}, {transform_indices = @transform_5, window_bounds = array<i64: 1024, 128>}]} {
    %get3A = arith.constant 0 : index
    %get3A_0 = arith.constant 0 : index
    %get3A_1 = vector.load %arg1[%get3A, %get3A_0] : memref<1024x128xf32, #tpu.memory_space<vmem>>, vector<1024x128xf32>
    %get3A_2 = arith.constant 0 : index
    %get3A_3 = arith.constant 0 : index
    %get3A_4 = vector.load %arg2[%get3A_2, %get3A_3] : memref<1024x128xf32, #tpu.memory_space<vmem>>, vector<1024x128xf32>
    %add3A = arith.addf %get3A_1, %get3A_4 : vector<1024x128xf32>
    %get3A_5 = arith.constant 0 : index
    %get3A_6 = arith.constant 0 : index
    %get3A_7 = vector.load %arg3[%get3A_5, %get3A_6] : memref<1024x128xf32, #tpu.memory_space<vmem>>, vector<1024x128xf32>
    %mul3A = arith.mulf %get3A_7, %add3A : vector<1024x128xf32>
    %get3A_8 = arith.constant 0 : index
    %get3A_9 = arith.constant 0 : index
    %get3A_10 = vector.load %arg4[%get3A_8, %get3A_9] : memref<1x128xf32, #tpu.memory_space<vmem>>, vector<1x128xf32>
    %add3A_11 = vector.broadcast %get3A_10 : vector<1x128xf32> to vector<1024x128xf32>
    %add3A_12 = arith.addf %mul3A, %add3A_11 : vector<1024x128xf32>
    %max3A = arith.constant 0.000000e+00 : f32
    %max3A_13 = vector.broadcast %max3A : f32 to vector<1024x128xf32>
    %max3A_14 = arith.maximumf %add3A_12, %max3A_13 : vector<1024x128xf32>
    %get3A_15 = arith.constant 0 : index
    %get3A_16 = arith.constant 0 : index
    %get3A_17 = vector.load %arg3[%get3A_15, %get3A_16] : memref<1024x128xf32, #tpu.memory_space<vmem>>, vector<1024x128xf32>
    %get3A_18 = arith.constant 0 : index
    %get3A_19 = arith.constant 0 : index
    %get3A_20 = vector.load %arg5[%get3A_18, %get3A_19] : memref<128x128xf32, #tpu.memory_space<vmem>>, vector<128x128xf32>
    %dot_general3A = arith.constant dense<0.000000e+00> : vector<1024x128xf32>
    %dot_general3A_21 = tpu.matmul %max3A_14, %get3A_20, %dot_general3A {dimension_numbers = #tpu.dot_dimension_numbers<[1], [0], [0], [1], [0, 0, 1, 1], [], []>, transpose_lhs_hint = false} : vector<1024x128xf32>, vector<128x128xf32>, vector<1024x128xf32> -> vector<1024x128xf32>
    %mul3A_22 = arith.mulf %get3A_17, %dot_general3A_21 : vector<1024x128xf32>
    %swap3A = arith.constant 0 : index
    %swap3A_23 = arith.constant 0 : index
    %swap3A_24 = vector.load %arg6[%swap3A, %swap3A_23] : memref<1024x128xf32, #tpu.memory_space<vmem>>, vector<1024x128xf32>
    tpu.vector_store %arg6[%swap3A, %swap3A_23], %mul3A_22 {strides = array<i32>} : memref<1024x128xf32, #tpu.memory_space<vmem>>, vector<1024x128xf32>,
    return
  }
  func.func @transform_0(%arg0: i32) -> (i32, i32) {
    %c0_i32 = arith.constant 0 : i32
    %c0_i32_0 = arith.constant 0 : i32
    return %arg0, %c0_i32 : i32, i32
  }
  func.func @transform_1(%arg0: i32) -> (i32, i32) {
    %c0_i32 = arith.constant 0 : i32
    %c0_i32_0 = arith.constant 0 : i32
    return %arg0, %c0_i32 : i32, i32
  }
  func.func @transform_2(%arg0: i32) -> (i32, i32) {
    %c0_i32 = arith.constant 0 : i32
    %c0_i32_0 = arith.constant 0 : i32
    return %arg0, %c0_i32 : i32, i32
  }
  func.func @transform_3(%arg0: i32) -> (i32, i32) {
    %c0_i32 = arith.constant 0 : i32
    %c0_i32_0 = arith.constant 0 : i32
    %c0_i32_1 = arith.constant 0 : i32
    return %c0_i32, %c0_i32_0 : i32, i32
  }
  func.func @transform_4(%arg0: i32) -> (i32, i32) {
    %c0_i32 = arith.constant 0 : i32
    %c0_i32_0 = arith.constant 0 : i32
    %c0_i32_1 = arith.constant 0 : i32
    return %c0_i32, %c0_i32_0 : i32, i32
  }
  func.func @transform_5(%arg0: i32) -> (i32, i32) {
    %c0_i32 = arith.constant 0 : i32
    %c0_i32_0 = arith.constant 0 : i32
    return %arg0, %c0_i32 : i32, i32
  }
}

module attributes {stable_mosaic.version = 14 : i64} {
  func.func @_final_body(%arg0: i32, %arg1: memref<1024x128xf32, #tpu.memory_space<vmem>>, %arg2: memref<1024x128xf32, #tpu.memory_space<vmem>>, %arg3: memref<1024x128xf32, #tpu.memory_space<vmem>>, %arg4: memref<1x128xf32, #tpu.memory_space<vmem>>, %arg5: memref<1024x128xf32, #tpu.memory_space<vmem>>) attributes {dimension_semantics = [#tpu.dimension_semantics<arbitrary>], iteration_bounds = array<i64: 10>, scalar_prefetch = 0 : i64, scratch_operands = 0 : i64, tpu.core_type = #tpu.core_type<tc>, window_params = [{transform_indices = @transform_0, window_bounds = array<i64: 1024, 128>}, {transform_indices = @transform_1, window_bounds = array<i64: 1024, 128>}, {transform_indices = @transform_2, window_bounds = array<i64: 1024, 128>}, {pipeline_mode = #tpu.pipeline_mode<synchronous>, transform_indices = @transform_3, window_bounds = array<i64: 1, 128>}, {transform_indices = @transform_4, window_bounds = array<i64: 1024, 128>}]} {
    %get3A = arith.constant 0 : index
    %get3A_0 = arith.constant 0 : index
    %get3A_1 = vector.load %arg1[%get3A, %get3A_0] : memref<1024x128xf32, #tpu.memory_space<vmem>>, vector<1024x128xf32>
    %get3A_2 = arith.constant 0 : index
    %get3A_3 = arith.constant 0 : index
    %get3A_4 = vector.load %arg2[%get3A_2, %get3A_3] : memref<1024x128xf32, #tpu.memory_space<vmem>>, vector<1024x128xf32>
    %add3A = arith.addf %get3A_1, %get3A_4 : vector<1024x128xf32>
    %get3A_5 = arith.constant 0 : index
    %get3A_6 = arith.constant 0 : index
    %get3A_7 = vector.load %arg3[%get3A_5, %get3A_6] : memref<1024x128xf32, #tpu.memory_space<vmem>>, vector<1024x128xf32>
    %mul3A = arith.mulf %get3A_7, %add3A : vector<1024x128xf32>
    %get3A_8 = arith.constant 0 : index
    %get3A_9 = arith.constant 0 : index
    %get3A_10 = vector.load %arg4[%get3A_8, %get3A_9] : memref<1x128xf32, #tpu.memory_space<vmem>>, vector<1x128xf32>
    %add3A_11 = vector.broadcast %get3A_10 : vector<1x128xf32> to vector<1024x128xf32>
    %add3A_12 = arith.addf %mul3A, %add3A_11 : vector<1024x128xf32>
    %max3A = arith.constant 0.000000e+00 : f32
    %max3A_13 = vector.broadcast %max3A : f32 to vector<1024x128xf32>
    %max3A_14 = arith.maximumf %add3A_12, %max3A_13 : vector<1024x128xf32>
    %swap3A = arith.constant 0 : index
    %swap3A_15 = arith.constant 0 : index
    %swap3A_16 = vector.load %arg5[%swap3A, %swap3A_15] : memref<1024x128xf32, #tpu.memory_space<vmem>>, vector<1024x128xf32>
    tpu.vector_store %arg5[%swap3A, %swap3A_15], %max3A_14 {strides = array<i32>} : memref<1024x128xf32, #tpu.memory_space<vmem>>, vector<1024x128xf32>,
    return
  }
  func.func @transform_0(%arg0: i32) -> (i32, i32) {
    %c0_i32 = arith.constant 0 : i32
    %c0_i32_0 = arith.constant 0 : i32
    return %arg0, %c0_i32 : i32, i32
  }
  func.func @transform_1(%arg0: i32) -> (i32, i32) {
    %c0_i32 = arith.constant 0 : i32
    %c0_i32_0 = arith.constant 0 : i32
    return %arg0, %c0_i32 : i32, i32
  }
  func.func @transform_2(%arg0: i32) -> (i32, i32) {
    %c0_i32 = arith.constant 0 : i32
    %c0_i32_0 = arith.constant 0 : i32
    return %arg0, %c0_i32 : i32, i32
  }
  func.func @transform_3(%arg0: i32) -> (i32, i32) {
    %c0_i32 = arith.constant 0 : i32
    %c0_i32_0 = arith.constant 0 : i32
    %c0_i32_1 = arith.constant 0 : i32
    return %c0_i32, %c0_i32_0 : i32, i32
  }
  func.func @transform_4(%arg0: i32) -> (i32, i32) {
    %c0_i32 = arith.constant 0 : i32
    %c0_i32_0 = arith.constant 0 : i32
    return %arg0, %c0_i32 : i32, i32
  }
}

</mosaic_0001>

<sc_bundles>
// kernel: kernel.11.cloned.1.call-start
scs
__scs_entry_jumppad:
0x0: {  	(pc) =	sbr.rel $0x88, $3  }
0x1: {  	(tag) =	ssettag $0x0;
	lr =	simm.s32 $0x1  }
0x2: {  	[smem:$0x3F9B] =	sst lr;
	_ =	strace $0xD0000000  }
0x3: {  	_ = 	snop  }
0x4: {  	_ = 	snop  }
0x5: {  	_ = 	snop  }
0x6: {  	_ = 	snop  }
0x7: {  	_ = 	snop  }
__scs_overlays_trampoline_lowered:
0x8: {  	[smem:$0x3FAA] =	sst s0  }
0x9: {  	[smem:$0x3FAB] =	sst s1  }
0xa: {  	[smem:$0x3FAC] =	sst s2  }
0xb: {  	[smem:$0x3FAD] =	sst s3  }
0xc: {  	[smem:$0x3FAE] =	sst s4  }
0xd: {  	[smem:$0x3FAF] =	sst s5  }
0xe: {  	[smem:$0x3FB0] =	sst s6  }
0xf: {  	[smem:$0x3FB1] =	sst s7  }
0x10: {  	[smem:$0x3FB2] =	sst s8  }
0x11: {  	[smem:$0x3FB3] =	sst s9;
	s0 =	simm.s32 @!p0 $0x0  }
0x12: {  	s1 =	sld [smem:$0x3F99];
	s0 =	simm.s32 @p0 $0x1  }
0x13: {  	[smem:$0x3FB4] =	sst s0;
	s0 =	simm.s32 @!p1 $0x0  }
0x14: {  	s2 =	sld [smem:$0x3F98];
	s0 =	simm.s32 @p1 $0x1  }
0x15: {  	[smem:$0x3FB5] =	sst s0;
	s0 =	simm.s32 @!p2 $0x0  }
0x16: {  	s3 =	sld [smem:$0x3FDB];
	s0 =	simm.s32 @p2 $0x1  }
0x17: {  	s4 =	simm.s32 $0x1BF5;
	[smem:$0x3FB7] =	sst s0  }
0x18: {  	s0 =	sld [smem:$0x3F9A];
	_ =	swait.ge [sflag:s4], $0x0  }
0x19: {  	s7 =	sld [smem:$0x3F9B]  }
0x1a: {  	s8 =	sadd.s32 $0xFFFFE003, lr  }
0x1b: {  	s9 =	sadd.s32 $0xFFFFFEF7, lr;
	s5 =	simm.s32 $0xFFFFFFFF;
	p2 =	slt.u32 s8, $0xFFFFF086  }
0x1c: {  	p1 =	slt.u32 s9, $0xF7A;
	s5 =	simm.s32 @!p2 $0x0  }
0x1d: {  	s5 =	simm.s32 @p1 $0x1;
	p0 =	seq.s32 s7, s2  }
0x1e: {  	s7 =	smul.u32 @!p0 $0xF7A, s2;
	p2 =	seq.s32 @!p0 s5, $0x0  }
0x1f: {  	s9 =	smul.u32 $0xF7A, s1;
	s8 =	simm.s32 @!p0 $0x1BF5;
	p2 =	por !p2, p0  }
0x20: {  	[sflag:s8] =	ssyncset.s32 @!p0 $0xFFFFF086;
	s6 =	sadd.s32 @!p0 s3, s7;
	s7 =	simm.s32 @!p0 $0x108  }
0x21: {  	s3 =	sadd.s32 s3, s9;
	s6 =	sadd.s32 @!p0 $0x88, s6;
	s7 =	simm.s32 @p2 $0x1082  }
0x22: {  	[simem:s7], [sflag:s8] =	dma.local @!p0 [hbm:s6], $0xF7A  }
0x23: {  	s9 =	sor.u32 $0xD0000000, s2;
	s6 =	simm.s32 $0x108;
	_ =	swait.ge @!p0 [sflag:s8], $0x0  }
0x24: {  	s3 =	sadd.s32 $0x88, s3;
	s6 =	simm.s32 @!p1 $0x1082;
	[sflag:s4] =	ssyncset.s32 $0xFFFFF086  }
0x25: {  	[simem:s6], [sflag:s4] =	dma.local [hbm:s3], $0xF7A  }
0x26: {  	[smem:$0x3F9B] =	sst s1;
	(tag) =	ssettag s2;
	_ =	strace s9  }
0x27: {  	s1 =	sld [smem:$0x3FAB]  }
0x28: {  	s2 =	sld [smem:$0x3FAC]  }
0x29: {  	s4 =	sld [smem:$0x3FAE]  }
0x2a: {  	p0 =	seq.s32 s5, $0x0;
	s5 =	sld [smem:$0x3FAF]  }
0x2b: {  	s6 =	sld [smem:$0x3FB0]  }
0x2c: {  	s7 =	sld [smem:$0x3FB1]  }
0x2d: {  	s3 =	simm.s32 $0x108;
	s8 =	sld [smem:$0x3FB2]  }
0x2e: {  	s3 =	simm.s32 @!p0 $0x1082;
	s9 =	sld [smem:$0x3FB3]  }
0x2f: {  	lr =	sadd.s32 s0, s3;
	s0 =	sld [smem:$0x3FAA]  }
0x30: {  	s3 =	sld [smem:$0x3FAD]  }
0x31: {  	[smem:$0x3FB6] =	sst s10  }
0x32: {  	s10 =	sld [smem:$0x3FB4];
	_ =	sdelay $0x3  }
0x33: {  	p0 =	seq.s32 s10, $0x1;
	s10 =	sld [smem:$0x3FB6];
	_ =	sdelay $0x3  }
0x34: {  	[smem:$0x3FB6] =	sst s10  }
0x35: {  	s10 =	sld [smem:$0x3FB5];
	_ =	sdelay $0x3  }
0x36: {  	p1 =	seq.s32 s10, $0x1;
	s10 =	sld [smem:$0x3FB6];
	_ =	sdelay $0x3  }
0x37: {  	[smem:$0x3FB6] =	sst s10  }
0x38: {  	s10 =	sld [smem:$0x3FB7]  }
0x39: {  	_ = 	snop;
	(pc) =	sbr.ind lr, $3  }
0x3a: {  	_ = 	snop  }
0x3b: {  	_ = 	snop  }
0x3c: {  	p2 =	seq.s32 s10, $0x1;
	s10 =	sld [smem:$0x3FB6]  }
0x3d: {  	_ =	shalt  }
0x3e: {  	_ =	shalt  }
0x3f: {  	_ =	shalt  }
0x40: {  	_ =	shalt  }
0x41: {  	_ =	shalt  }
0x42: {  	_ =	shalt  }
0x43: {  	_ =	shalt  }
0x44: {  	_ =	shalt  }
0x45: {  	_ =	shalt  }
0x46: {  	_ =	shalt  }
0x47: {  	_ =	shalt  }
0x48: {  	_ =	shalt  }
0x49: {  	_ =	shalt  }
0x4a: {  	_ =	shalt  }
0x4b: {  	_ =	shalt  }
0x4c: {  	_ =	shalt  }
0x4d: {  	_ =	shalt  }
0x4e: {  	_ =	shalt  }
0x4f: {  	_ =	shalt  }
0x50: {  	_ =	shalt  }
0x51: {  	_ =	shalt  }
0x52: {  	_ =	shalt  }
0x53: {  	_ =	shalt  }
0x54: {  	_ =	shalt  }
0x55: {  	_ =	shalt  }
0x56: {  	_ =	shalt  }
0x57: {  	_ =	shalt  }
0x58: {  	_ =	shalt  }
0x59: {  	_ =	shalt  }
0x5a: {  	_ =	shalt  }
0x5b: {  	_ =	shalt  }
0x5c: {  	_ =	shalt  }
0x5d: {  	_ =	shalt  }
0x5e: {  	_ =	shalt  }
0x5f: {  	_ =	shalt  }
0x60: {  	_ =	shalt  }
0x61: {  	_ =	shalt  }
0x62: {  	_ =	shalt  }
0x63: {  	_ =	shalt  }
0x64: {  	_ =	shalt  }
0x65: {  	_ =	shalt  }
0x66: {  	_ =	shalt  }
0x67: {  	_ =	shalt  }
0x68: {  	_ =	shalt  }
0x69: {  	_ =	shalt  }
0x6a: {  	_ =	shalt  }
0x6b: {  	_ =	shalt  }
0x6c: {  	_ =	shalt  }
0x6d: {  	_ =	shalt  }
0x6e: {  	_ =	shalt  }
0x6f: {  	_ =	shalt  }
0x70: {  	_ =	shalt  }
0x71: {  	_ =	shalt  }
0x72: {  	_ =	shalt  }
0x73: {  	_ =	shalt  }
0x74: {  	_ =	shalt  }
0x75: {  	_ =	shalt  }
0x76: {  	_ =	shalt  }
0x77: {  	_ =	shalt  }
0x78: {  	_ =	shalt  }
0x79: {  	_ =	shalt  }
0x7a: {  	_ =	shalt  }
0x7b: {  	_ =	shalt  }
0x7c: {  	_ =	shalt  }
0x7d: {  	_ =	shalt  }
0x7e: {  	_ =	shalt  }
0x7f: {  	_ =	shalt  }
0x80: {  	_ =	shalt  }
0x81: {  	_ =	shalt  }
0x82: {  	_ =	shalt  }
0x83: {  	_ =	shalt  }
0x84: {  	_ =	shalt  }
0x85: {  	_ =	shalt  }
0x86: {  	_ =	shalt  }
0x87: {  	_ =	shalt  }
.Lfunc_end0:
.L_simem_size_0:
called_computation.1_lowered:
.L_overlay_start_0:
0x88: {  	s2 =	sld [smem:$0x3FD9]  }
0x89: {  	s3 =	sld [smem:$0x3FFE];
	_ =	sdelay $0x1  }
0x8a: {  	s1 =	srdreg.scid  }
0x8b: {  	s0 =	sand.u32 $0x1, s1  }
0x8c: {  	s17 =	sshll.u32 s0, $0xA;
	s2 =	sadd.s32 s3, s2  }
0x8d: {  	s2 =	sadd.s32 s2, s17  }
0x8e: {  	[smem:$0x3FC2] =	sst s2  }
0x8f: {  	_ = 	snop  }
0x90: {  	s2 =	sld [smem:$0x3FD0];
	(tm) =	ssettm $0x1  }
0x91: {  	s18 =	sld [smem:$0x3FFB];
	_ =	sdelay $0x3  }
0x92: {  	_ =	strace s18  }
0x93: {  	s3 =	sld [smem:$0x3FFC];
	_ =	sdelay $0x3  }
0x94: {  	_ =	strace s3  }
0x95: {  	s3 =	sld [smem:$0x3FFD];
	_ =	sdelay $0x3  }
0x96: {  	_ =	strace s3  }
0x97: {  	_ =	strace $0x8FFFFFFF  }
0x98: {  	s19 =	sld [smem:$0x3FDB];
	_ =	sdelay $0x1  }
0x99: {  	s4 =	simm.s32 $_scs_section_size  }
0x9a: {  	s5 =	simm.s32 $_size__tile_overlayer_lowered;
	s6 =	simm.s32 $_tile_overlayer_lowered  }
0x9b: {  	s22 =	simm.s32 $0x1BFF;
	s21 =	sshll.u32 s6, $0x1;
	s3 =	sadd.s32 s4, s19  }
0x9c: {  	s7 =	simm.s32 $0x0;
	s20 =	sshll.u32 s5, $0x1;
	s5 =	sadd.s32 s21, s3  }
0x9d: {  	[timem:s7], [sflag:s22] =	dma.local [hbm:s5], s20  }
0x9e: {  	_ =	swait.ge [sflag:s22], s20  }
0x9f: {  	s4 =	ssub.s32 $0x0, s20;
	[sflag:s22] =	ssyncset.done $0x0  }
0xa0: {  	[sflag:s22] =	ssyncadd.s32 s4;
	_ =	sdelay $0x1  }
0xa1: {  	s23 =	simm.s32 $0x1B8B  }
0xa2: {  	_ =	swait.ge [sflag:s23], $0x1  }
0xa3: {  	[sflag:s23] =	ssyncset.done $0x0  }
0xa4: {  	s25 =	simm.s32 $0x1B8E;
	s24 =	sld [smem:$0x3FFE];
	[sflag:s23] =	ssyncadd.s32 $0xFFFFFFFF  }
0xa5: {  	s26 =	simm.s32 $execute0_lowered;
	[smem:$0x3FD2] =	sst s25  }
0xa6: {  	s5 =	sshll.u32 s26, $0x1;
	_ =	strace $0x80000049;
	[dreg:$0x1] =	wrdreg $0xFFFFFFFF  }
0xa7: {  	s28 =	simm.s32 $_size_execute0_lowered;
	s3 =	sadd.s32 s3, s5;
	[dreg:$0x0] =	wrdreg $0x0  }
0xa8: {  	s5 =	sshll.u32 s28, $0x1;
	[dreg:$0x2] =	wrdreg s3  }
0xa9: {  	[dreg:$0x3] =	wrdreg s5  }
0xaa: {  	[dreg:$0x4] =	wrdreg $0xC0  }
0xab: {  	_ =	task [dreg:s7], $0x5FFFF  }
0xac: {  	[dreg:$0x1] =	wrdreg $0xFFFFFFFF  }
0xad: {  	[dreg:$0x0] =	wrdreg $0x60  }
0xae: {  	[dreg:$0x2] =	wrdreg s24  }
0xaf: {  	[dreg:$0x3] =	wrdreg s2  }
0xb0: {  	[dreg:$0x4] =	wrdreg $0x90000  }
0xb1: {  	[dreg:$0x5] =	wrdreg $0x9  }
0xb2: {  	_ =	task.clear_ibuf [dreg:s7], $0x6FFFF;
	_ =	strace $0x90000049  }
0xb3: {  	s29 =	simm.s32 $0x9;
	_ =	strace $0x8000004B  }
0xb4: {  	_ =	swait.ge [sflag:s29], $0x1  }
0xb5: {  	[sflag:s29] =	ssyncadd.s32 $0xFFFFFFFF  }
0xb6: {  	_ =	strace $0x9000004B  }
0xb7: {  	_ =	sfence  }
0xb8: {  	s30 =	sld [smem:$0x0];
	_ =	sdelay $0x2  }
0xb9: {  	s31 =	sshll.u32 s1, $0xD;
	s1 =	sshrl.u32 s1, $0x2  }
0xba: {  	s3 =	sand.u32 $0x4000, s31;
	s1 =	sadd.s32 s1, s30  }
0xbb: {  	s0 =	sor.u32 s3, s0;
	s1 =	sshll.u32 s1, $0x11  }
0xbc: {  	s0 =	sor.u32 s1, s0  }
0xbd: {  	s0 =	sadd.s32 $0x8F2B, s0  }
0xbe: {  	[sflag:s0] =	ssyncadd.remote.s32 $0x1  }
0xbf: {  	_ =	sfence.sel $0xFFFF  }
0xc0: {  	[dreg:$0x0] =	wrdreg $0xFFFFFFFF;
	(pc) =	sbr.abs _section_cstart, $3  }
0xc1: {  	[dreg:$0x1] =	wrdreg $0xFFFFFFFF  }
0xc2: {  	_ =	task.clear_ibuf [dreg:s7], $0x2FFFF;
	_ =	strace $0x9FFFFFFF  }
0xc3: {  	(tm) =	ssettm $0x7FFFFFFF  }
tec
execute0_lowered:
.L_overlay_start_1:
0x0: {  	(tag) =	ssettag $0x1  }
0x1: {  	s0 =	rddreg [dreg:$0x0]  }
0x2: {  	s1 =	rddreg [dreg:$0x1]  }
0x3: {  	s2 =	rddreg [dreg:$0x2]  }
0x4: {  	s3 =	simm.s32 $0x0;
	s10 =	stileid.u32;
	s6 =	srdreg.scid  }
0x5: {  	s12 =	simm.s32 $0x880;
	s14 =	simm.s32 $0x180;
	s16 =	simm.s32 $0x900  }
0x6: {  	s18 =	simm.s32 $0x200;
	[smem:$0x7FF] =	sst s3;
	s11 =	sadd.s32 $0x2A00, s0  }
0x7: {  	s20 =	simm.s32 $0x980;
	_ =	strace $0x8000004A;
	[dreg:$0x12] =	wrdreg s11  }
0x8: {  	s21 =	simm.s32 $0x280;
	s22 =	simm.s32 $0xA00;
	[dreg:$0x7] =	wrdreg s12  }
0x9: {  	s23 =	simm.s32 $0x300;
	s24 =	simm.s32 $0xA80;
	[dreg:$0x8] =	wrdreg s14  }
0xa: {  	s28 =	simm.s32 $0xD00;
	s29 =	simm.s32 $0x600;
	[dreg:$0x9] =	wrdreg s16  }
0xb: {  	s30 =	simm.s32 $0xD80;
	s31 =	simm.s32 $0x680;
	[dreg:$0xa] =	wrdreg s18  }
0xc: {  	s5 =	smul.u32 $0xA00, s10;
	s4 =	sadd.s32 $0x16A00, s0;
	[dreg:$0xb] =	wrdreg s20  }
0xd: {  	s7 =	smul.u32 $0x2800, s10;
	s6 =	sand.u32 $0x1, s6;
	[dreg:$0xc] =	wrdreg s21  }
0xe: {  	s10 =	smul.u32 $0x50000, s10;
	s9 =	ssub.s32 $0x2, s6;
	[dreg:$0xd] =	wrdreg s22  }
0xf: {  	p0 =	sne.s32 s6, $0x0;
	s14 =	simm.s32 $0x3;
	[dreg:$0xe] =	wrdreg s23  }
0x10: {  	s16 =	simm.s32 $0x80;
	[dreg:$0xf] =	wrdreg s24;
	s18 =	simm.s32 $0x1  }
0x11: {  	s20 =	simm.s32 $0x400;
	s21 =	simm.s32 $0xB80;
	s22 =	simm.s32 $0x480  }
0x12: {  	s23 =	simm.s32 $0xC00;
	s24 =	simm.s32 $0x500;
	s6 =	simm.s32 $0x0  }
0x13: {  	s8 =	sadd.s32 s5, s0;
	s0 =	sadd.s32 s7, s0;
	s25 =	sshrl.u32 s9, $0x1  }
0x14: {  	s26 =	sshrl.u32 s10, $0x2;
	s1 =	sadd.s32 s5, s1;
	s10 =	simm.s32 $0x100  }
0x15: {  	s5 =	simm.s32 $0xE80;
	s7 =	ssub.s32 s9, s25;
	[dreg:$0x4] =	wrdreg s1  }
0x16: {  	s11 =	sadd.s32 s26, s2;
	s0 =	sadd.s32 $0x3EA00, s0;
	[dreg:$0x6] =	wrdreg s10  }
0x17: {  	s9 =	sadd.s32 $0xCA00, s8;
	s25 =	simm.s32 $0x380;
	[dreg:$0x14] =	wrdreg s0  }
0x18: {  	s26 =	simm.s32 $0xB00;
	s1 =	simm.s32 $0x700;
	[dreg:$0x5] =	wrdreg s9  }
0x19: {  	s10 =	simm.s32 $0xF80;
	s8 =	smax.u32 s7, $0x1;
	[dreg:$0x10] =	wrdreg s25  }
0x1a: {  	s13 =	sadd.s32 $0x4000, s11;
	s15 =	sadd.s32 $0x8000, s11;
	[dreg:$0x11] =	wrdreg s26  }
0x1b: {  	s17 =	sadd.s32 $0xC000, s11;
	s19 =	sadd.s32 $0x10000, s11;
	[dreg:$0x13] =	wrdreg s11  }
.Ltmp0:
0x1c: {  	s25 =	simm.s32 $0xC80;
	[dreg:$0x16] =	wrdreg s13;
	(pc) =	sbr.rel .LBB2_1-.Ltmp0, $4  }
0x1d: {  	s26 =	simm.s32 $0x580;
	s0 =	simm.s32 $0xE00;
	[dreg:$0x17] =	wrdreg s15  }
0x1e: {  	s7 =	simm.s32 $0x780;
	s9 =	simm.s32 $0xF00;
	[dreg:$0x18] =	wrdreg s17  }
0x1f: {  	[dreg:$0x19] =	wrdreg s19;
	s13 =	simm.s32 $0x1000;
	s15 =	simm.s32 $0x800  }
0x20: {  	s17 =	simm.s32 $0x5000;
	s19 =	simm.s32 $0x2;
	[dreg:$0x15] =	wrdreg s8  }
.LBB2_7:
0x21: {  	[bflag:$0x0] =	sbarrier.arrive $0xFFFF  }
0x22: {  	[bflag:$0x0] =	sbarrier.arrive $0xFFFF  }
.LBB2_5:
0x23: {  	s6 =	sadd.s32 $0x1, s6  }
0x24: {  	p1 =	sne.s32 s6, s8  }
.Ltmp1:
0x25: {  	_ = 	snop;
	(pc) =	sbr.rel @!p1 .LBB2_6-.Ltmp1, $1  }
0x26: {  	_ =	sdelay $0x3  }
.LBB2_1:
.Ltmp2:
0x27: {  	(pc) =	sbr.rel @p0 .LBB2_7-.Ltmp2, $1  }
0x28: {  	_ =	sdelay $0x3  }
0x29: {  	[dreg:$0x1a] =	wrdreg s6  }
0x2a: {  	s12 =	simm.s32 $0x0;
	s8 =	rddreg [dreg:$0x12]  }
0x2b: {  	[tilespmem:s13], [sflag:$0x3] =	stream.linear.gather [hbm4b:s8+s12], $0x4000, $0x38;
	[tilespmem:$0x1D000] =	vst v63  }
0x2c: {  	_ =	swait.ge [sflag:s14], $0x4000  }
0x2d: {  	[sflag:s14] =	ssyncset.done $0x0  }
0x2e: {  	[sflag:s14] =	ssyncadd.s32 $0xFFFFC000  }
0x2f: {  	[spmem:s11] =	stream.linear.scatter [tilespmem:s13], [sflag:$0x3], $0x4000, $0x38;
	[tilespmem:$0x1D000] =	vst v63  }
0x30: {  	_ =	swait.ge [sflag:s14], $0x4000  }
0x31: {  	[sflag:s14] =	ssyncset.done $0x0  }
0x32: {  	s8 =	rddreg [dreg:$0x16];
	[sflag:s14] =	ssyncadd.s32 $0xFFFFC000  }
0x33: {  	[spmem:s8] =	stream.linear.scatter [tilespmem:s13], [sflag:$0x3], $0x4000, $0x38;
	[tilespmem:$0x1D000] =	vst v63  }
0x34: {  	_ =	swait.ge [sflag:s14], $0x4000  }
0x35: {  	[sflag:s14] =	ssyncset.done $0x0  }
0x36: {  	s11 =	rddreg [dreg:$0x17];
	[sflag:s14] =	ssyncadd.s32 $0xFFFFC000  }
0x37: {  	[spmem:s11] =	stream.linear.scatter [tilespmem:s13], [sflag:$0x3], $0x4000, $0x38;
	[tilespmem:$0x1D000] =	vst v63  }
0x38: {  	_ =	swait.ge [sflag:s14], $0x4000  }
0x39: {  	[sflag:s14] =	ssyncset.done $0x0  }
0x3a: {  	s12 =	rddreg [dreg:$0x18];
	[sflag:s14] =	ssyncadd.s32 $0xFFFFC000  }
0x3b: {  	[spmem:s12] =	stream.linear.scatter [tilespmem:s13], [sflag:$0x3], $0x4000, $0x38;
	[tilespmem:$0x1D000] =	vst v63  }
0x3c: {  	_ =	swait.ge [sflag:s14], $0x4000  }
0x3d: {  	[sflag:s14] =	ssyncset.done $0x0  }
0x3e: {  	s8 =	rddreg [dreg:$0x19];
	[sflag:s14] =	ssyncadd.s32 $0xFFFFC000  }
0x3f: {  	[spmem:s8] =	stream.linear.scatter [tilespmem:s13], [sflag:$0x3], $0x4000, $0x38;
	[tilespmem:$0x1D000] =	vst v63  }
0x40: {  	_ =	swait.ge [sflag:s14], $0x4000  }
0x41: {  	[sflag:s14] =	ssyncset.done $0x0  }
0x42: {  	[sflag:s14] =	ssyncadd.s32 $0xFFFFC000  }
0x43: {  	[bflag:$0x0] =	sbarrier.arrive $0xFFFF  }
0x44: {  	s11 =	rddreg [dreg:$0x5]  }
0x45: {  	s6 =	sadd.s32 $0x0, s11  }
0x46: {  	[tilespmem:s3], [sflag:$0x3] =	stream.linear.gather [hbm4b:s6+s3], $0x800, $0x38;
	[tilespmem:$0x1D000] =	vst v63  }
0x47: {  	_ =	swait.ge [sflag:s14], $0x800  }
0x48: {  	s12 =	rddreg [dreg:$0x4];
	[sflag:s14] =	ssyncset.done $0x0  }
0x49: {  	[sflag:s14] =	ssyncadd.s32 $0xFFFFF800;
	s6 =	sadd.s32 $0x0, s12  }
0x4a: {  	[tilespmem:s15], [sflag:$0x3] =	stream.linear.gather [hbm4b:s6+s3], $0x800, $0x38;
	[tilespmem:$0x1D000] =	vst v63  }
0x4b: {  	_ =	swait.ge [sflag:s14], $0x800  }
0x4c: {  	[sflag:s14] =	ssyncset.done $0x0  }
0x4d: {  	[sflag:s14] =	ssyncadd.s32 $0xFFFFF800  }
0x4e: {  	[tilespmem:s13], [sflag:$0x1] =	stream.indirect.gather [hbm4b:s4+s16], $0x80, s3, s16, $0xb8;
	[tilespmem:$0x1D000] =	vst v63  }
0x4f: {  	_ = 	snop  }
0x50: {  	[tilespmem:s17], [sflag:$0x2] =	stream.indirect.gather [hbm4b:s4+s16], $0x80, s16, s16, $0xb8;
	[tilespmem:$0x1D000] =	vst v63  }
0x51: {  	_ =	swait.ge [sflag:s18], $0x4000  }
0x52: {  	[sflag:s18] =	ssyncset.done $0x0  }
0x53: {  	[sflag:s18] =	ssyncadd.s32 $0xFFFFC000  }
0x54: {  	[spmem:s2] =	stream.indirect.scatter.add.f32 [tilespmem:s13], [sflag:$0x3], $0x80, s15, s16, $0xb8;
	[tilespmem:$0x1D000] =	vst v63  }
0x55: {  	_ =	swait.ge [sflag:s14], $0x4000  }
0x56: {  	[sflag:s14] =	ssyncset.done $0x0  }
0x57: {  	s8 =	rddreg [dreg:$0x6];
	[sflag:s14] =	ssyncadd.s32 $0xFFFFC000  }
0x58: {  	[tilespmem:s13], [sflag:$0x1] =	stream.indirect.gather [hbm4b:s4+s16], $0x80, s8, s16, $0xb8;
	[tilespmem:$0x1D000] =	vst v63  }
0x59: {  	_ =	swait.ge [sflag:s19], $0x4000  }
0x5a: {  	[sflag:s19] =	ssyncset.done $0x0  }
0x5b: {  	s11 =	rddreg [dreg:$0x7];
	[sflag:s19] =	ssyncadd.s32 $0xFFFFC000  }
0x5c: {  	[spmem:s2] =	stream.indirect.scatter.add.f32 [tilespmem:s17], [sflag:$0x3], $0x80, s11, s16, $0xb8;
	[tilespmem:$0x1D000] =	vst v63  }
0x5d: {  	_ =	swait.ge [sflag:s14], $0x4000  }
0x5e: {  	[sflag:s14] =	ssyncset.done $0x0  }
0x5f: {  	s12 =	rddreg [dreg:$0x8];
	[sflag:s14] =	ssyncadd.s32 $0xFFFFC000  }
0x60: {  	[tilespmem:s17], [sflag:$0x2] =	stream.indirect.gather [hbm4b:s4+s16], $0x80, s12, s16, $0xb8;
	[tilespmem:$0x1D000] =	vst v63  }
0x61: {  	_ =	swait.ge [sflag:s18], $0x4000  }
0x62: {  	[sflag:s18] =	ssyncset.done $0x0  }
0x63: {  	s8 =	rddreg [dreg:$0x9];
	[sflag:s18] =	ssyncadd.s32 $0xFFFFC000  }
0x64: {  	[spmem:s2] =	stream.indirect.scatter.add.f32 [tilespmem:s13], [sflag:$0x3], $0x80, s8, s16, $0xb8;
	[tilespmem:$0x1D000] =	vst v63  }
0x65: {  	_ =	swait.ge [sflag:s14], $0x4000  }
0x66: {  	[sflag:s14] =	ssyncset.done $0x0  }
0x67: {  	s11 =	rddreg [dreg:$0xa];
	[sflag:s14] =	ssyncadd.s32 $0xFFFFC000  }
0x68: {  	[tilespmem:s13], [sflag:$0x1] =	stream.indirect.gather [hbm4b:s4+s16], $0x80, s11, s16, $0xb8;
	[tilespmem:$0x1D000] =	vst v63  }
0x69: {  	_ =	swait.ge [sflag:s19], $0x4000  }
0x6a: {  	[sflag:s19] =	ssyncset.done $0x0  }
0x6b: {  	s12 =	rddreg [dreg:$0xb];
	[sflag:s19] =	ssyncadd.s32 $0xFFFFC000  }
0x6c: {  	[spmem:s2] =	stream.indirect.scatter.add.f32 [tilespmem:s17], [sflag:$0x3], $0x80, s12, s16, $0xb8;
	[tilespmem:$0x1D000] =	vst v63  }
0x6d: {  	_ =	swait.ge [sflag:s14], $0x4000  }
0x6e: {  	[sflag:s14] =	ssyncset.done $0x0  }
0x6f: {  	s8 =	rddreg [dreg:$0xc];
	[sflag:s14] =	ssyncadd.s32 $0xFFFFC000  }
0x70: {  	[tilespmem:s17], [sflag:$0x2] =	stream.indirect.gather [hbm4b:s4+s16], $0x80, s8, s16, $0xb8;
	[tilespmem:$0x1D000] =	vst v63  }
0x71: {  	_ =	swait.ge [sflag:s18], $0x4000  }
0x72: {  	[sflag:s18] =	ssyncset.done $0x0  }
0x73: {  	s11 =	rddreg [dreg:$0xd];
	[sflag:s18] =	ssyncadd.s32 $0xFFFFC000  }
0x74: {  	[spmem:s2] =	stream.indirect.scatter.add.f32 [tilespmem:s13], [sflag:$0x3], $0x80, s11, s16, $0xb8;
	[tilespmem:$0x1D000] =	vst v63  }
0x75: {  	_ =	swait.ge [sflag:s14], $0x4000  }
0x76: {  	[sflag:s14] =	ssyncset.done $0x0  }
0x77: {  	s12 =	rddreg [dreg:$0xe];
	[sflag:s14] =	ssyncadd.s32 $0xFFFFC000  }
0x78: {  	[tilespmem:s13], [sflag:$0x1] =	stream.indirect.gather [hbm4b:s4+s16], $0x80, s12, s16, $0xb8;
	[tilespmem:$0x1D000] =	vst v63  }
0x79: {  	_ =	swait.ge [sflag:s19], $0x4000  }
0x7a: {  	[sflag:s19] =	ssyncset.done $0x0  }
0x7b: {  	s8 =	rddreg [dreg:$0xf];
	[sflag:s19] =	ssyncadd.s32 $0xFFFFC000  }
0x7c: {  	[spmem:s2] =	stream.indirect.scatter.add.f32 [tilespmem:s17], [sflag:$0x3], $0x80, s8, s16, $0xb8;
	[tilespmem:$0x1D000] =	vst v63  }
0x7d: {  	_ =	swait.ge [sflag:s14], $0x4000  }
0x7e: {  	[sflag:s14] =	ssyncset.done $0x0  }
0x7f: {  	s11 =	rddreg [dreg:$0x10];
	[sflag:s14] =	ssyncadd.s32 $0xFFFFC000  }
0x80: {  	[tilespmem:s17], [sflag:$0x2] =	stream.indirect.gather [hbm4b:s4+s16], $0x80, s11, s16, $0xb8;
	[tilespmem:$0x1D000] =	vst v63  }
0x81: {  	_ =	swait.ge [sflag:s18], $0x4000  }
0x82: {  	[sflag:s18] =	ssyncset.done $0x0  }
0x83: {  	s12 =	rddreg [dreg:$0x11];
	[sflag:s18] =	ssyncadd.s32 $0xFFFFC000  }
0x84: {  	[spmem:s2] =	stream.indirect.scatter.add.f32 [tilespmem:s13], [sflag:$0x3], $0x80, s12, s16, $0xb8;
	[tilespmem:$0x1D000] =	vst v63  }
0x85: {  	_ =	swait.ge [sflag:s14], $0x4000  }
0x86: {  	[sflag:s14] =	ssyncset.done $0x0  }
0x87: {  	[sflag:s14] =	ssyncadd.s32 $0xFFFFC000  }
0x88: {  	[tilespmem:s13], [sflag:$0x1] =	stream.indirect.gather [hbm4b:s4+s16], $0x80, s20, s16, $0xb8;
	[tilespmem:$0x1D000] =	vst v63  }
0x89: {  	_ =	swait.ge [sflag:s19], $0x4000  }
0x8a: {  	[sflag:s19] =	ssyncset.done $0x0  }
0x8b: {  	[sflag:s19] =	ssyncadd.s32 $0xFFFFC000  }
0x8c: {  	[spmem:s2] =	stream.indirect.scatter.add.f32 [tilespmem:s17], [sflag:$0x3], $0x80, s21, s16, $0xb8;
	[tilespmem:$0x1D000] =	vst v63  }
0x8d: {  	_ =	swait.ge [sflag:s14], $0x4000  }
0x8e: {  	[sflag:s14] =	ssyncset.done $0x0  }
0x8f: {  	[sflag:s14] =	ssyncadd.s32 $0xFFFFC000  }
0x90: {  	[tilespmem:s17], [sflag:$0x2] =	stream.indirect.gather [hbm4b:s4+s16], $0x80, s22, s16, $0xb8;
	[tilespmem:$0x1D000] =	vst v63  }
0x91: {  	_ =	swait.ge [sflag:s18], $0x4000  }
0x92: {  	[sflag:s18] =	ssyncset.done $0x0  }
0x93: {  	[sflag:s18] =	ssyncadd.s32 $0xFFFFC000  }
0x94: {  	[spmem:s2] =	stream.indirect.scatter.add.f32 [tilespmem:s13], [sflag:$0x3], $0x80, s23, s16, $0xb8;
	[tilespmem:$0x1D000] =	vst v63  }
0x95: {  	_ =	swait.ge [sflag:s14], $0x4000  }
0x96: {  	[sflag:s14] =	ssyncset.done $0x0  }
0x97: {  	[sflag:s14] =	ssyncadd.s32 $0xFFFFC000  }
0x98: {  	[tilespmem:s13], [sflag:$0x1] =	stream.indirect.gather [hbm4b:s4+s16], $0x80, s24, s16, $0xb8;
	[tilespmem:$0x1D000] =	vst v63  }
0x99: {  	_ =	swait.ge [sflag:s19], $0x4000  }
0x9a: {  	[sflag:s19] =	ssyncset.done $0x0  }
0x9b: {  	[sflag:s19] =	ssyncadd.s32 $0xFFFFC000  }
0x9c: {  	[spmem:s2] =	stream.indirect.scatter.add.f32 [tilespmem:s17], [sflag:$0x3], $0x80, s25, s16, $0xb8;
	[tilespmem:$0x1D000] =	vst v63  }
0x9d: {  	_ =	swait.ge [sflag:s14], $0x4000  }
0x9e: {  	[sflag:s14] =	ssyncset.done $0x0  }
0x9f: {  	[sflag:s14] =	ssyncadd.s32 $0xFFFFC000  }
0xa0: {  	[tilespmem:s17], [sflag:$0x2] =	stream.indirect.gather [hbm4b:s4+s16], $0x80, s26, s16, $0xb8;
	[tilespmem:$0x1D000] =	vst v63  }
0xa1: {  	_ =	swait.ge [sflag:s18], $0x4000  }
0xa2: {  	[sflag:s18] =	ssyncset.done $0x0  }
0xa3: {  	[sflag:s18] =	ssyncadd.s32 $0xFFFFC000  }
0xa4: {  	[spmem:s2] =	stream.indirect.scatter.add.f32 [tilespmem:s13], [sflag:$0x3], $0x80, s28, s16, $0xb8;
	[tilespmem:$0x1D000] =	vst v63  }
0xa5: {  	_ =	swait.ge [sflag:s14], $0x4000  }
0xa6: {  	[sflag:s14] =	ssyncset.done $0x0  }
0xa7: {  	[sflag:s14] =	ssyncadd.s32 $0xFFFFC000  }
0xa8: {  	[tilespmem:s13], [sflag:$0x1] =	stream.indirect.gather [hbm4b:s4+s16], $0x80, s29, s16, $0xb8;
	[tilespmem:$0x1D000] =	vst v63  }
0xa9: {  	_ =	swait.ge [sflag:s19], $0x4000  }
0xaa: {  	[sflag:s19] =	ssyncset.done $0x0  }
0xab: {  	[sflag:s19] =	ssyncadd.s32 $0xFFFFC000  }
0xac: {  	[spmem:s2] =	stream.indirect.scatter.add.f32 [tilespmem:s17], [sflag:$0x3], $0x80, s30, s16, $0xb8;
	[tilespmem:$0x1D000] =	vst v63  }
0xad: {  	_ =	swait.ge [sflag:s14], $0x4000  }
0xae: {  	[sflag:s14] =	ssyncset.done $0x0  }
0xaf: {  	[sflag:s14] =	ssyncadd.s32 $0xFFFFC000  }
0xb0: {  	[tilespmem:s17], [sflag:$0x2] =	stream.indirect.gather [hbm4b:s4+s16], $0x80, s31, s16, $0xb8;
	[tilespmem:$0x1D000] =	vst v63  }
0xb1: {  	_ =	swait.ge [sflag:s18], $0x4000  }
0xb2: {  	[sflag:s18] =	ssyncset.done $0x0  }
0xb3: {  	[sflag:s18] =	ssyncadd.s32 $0xFFFFC000  }
0xb4: {  	[spmem:s2] =	stream.indirect.scatter.add.f32 [tilespmem:s13], [sflag:$0x3], $0x80, s0, s16, $0xb8;
	[tilespmem:$0x1D000] =	vst v63  }
0xb5: {  	_ =	swait.ge [sflag:s14], $0x4000  }
0xb6: {  	[sflag:s14] =	ssyncset.done $0x0  }
0xb7: {  	[sflag:s14] =	ssyncadd.s32 $0xFFFFC000  }
0xb8: {  	[tilespmem:s13], [sflag:$0x1] =	stream.indirect.gather [hbm4b:s4+s16], $0x80, s1, s16, $0xb8;
	[tilespmem:$0x1D000] =	vst v63  }
0xb9: {  	_ =	swait.ge [sflag:s19], $0x4000  }
0xba: {  	[sflag:s19] =	ssyncset.done $0x0  }
0xbb: {  	[sflag:s19] =	ssyncadd.s32 $0xFFFFC000  }
0xbc: {  	[spmem:s2] =	stream.indirect.scatter.add.f32 [tilespmem:s17], [sflag:$0x3], $0x80, s5, s16, $0xb8;
	[tilespmem:$0x1D000] =	vst v63  }
0xbd: {  	_ =	swait.ge [sflag:s14], $0x4000  }
0xbe: {  	[sflag:s14] =	ssyncset.done $0x0  }
0xbf: {  	[sflag:s14] =	ssyncadd.s32 $0xFFFFC000  }
0xc0: {  	[tilespmem:s17], [sflag:$0x2] =	stream.indirect.gather [hbm4b:s4+s16], $0x80, s7, s16, $0xb8;
	[tilespmem:$0x1D000] =	vst v63  }
0xc1: {  	_ =	swait.ge [sflag:s18], $0x4000  }
0xc2: {  	[sflag:s18] =	ssyncset.done $0x0  }
0xc3: {  	[sflag:s18] =	ssyncadd.s32 $0xFFFFC000  }
0xc4: {  	[spmem:s2] =	stream.indirect.scatter.add.f32 [tilespmem:s13], [sflag:$0x3], $0x80, s9, s16, $0xb8;
	[tilespmem:$0x1D000] =	vst v63  }
0xc5: {  	_ =	swait.ge [sflag:s14], $0x4000  }
0xc6: {  	[sflag:s14] =	ssyncset.done $0x0  }
0xc7: {  	[sflag:s14] =	ssyncadd.s32 $0xFFFFC000  }
0xc8: {  	_ =	swait.ge [sflag:s19], $0x4000  }
0xc9: {  	[sflag:s19] =	ssyncset.done $0x0  }
0xca: {  	[sflag:s19] =	ssyncadd.s32 $0xFFFFC000  }
0xcb: {  	[spmem:s2] =	stream.indirect.scatter.add.f32 [tilespmem:s17], [sflag:$0x3], $0x80, s10, s16, $0xb8;
	[tilespmem:$0x1D000] =	vst v63  }
0xcc: {  	s8 =	simm.s32 $0x200;
	_ =	swait.ge [sflag:s14], $0x4000  }
0xcd: {  	s12 =	simm.s32 $0x100;
	s6 =	rddreg [dreg:$0x5];
	[sflag:s14] =	ssyncset.done $0x0  }
.LBB2_3:
0xce: {  	[sflag:s14] =	ssyncadd.s32 $0xFFFFC000;
	s6 =	sadd.s32 s12, s6  }
0xcf: {  	[tilespmem:s3], [sflag:$0x3] =	stream.linear.gather [hbm4b:s6+s3], $0x800, $0x38;
	[tilespmem:$0x1D000] =	vst v63  }
0xd0: {  	_ =	swait.ge [sflag:s14], $0x800  }
0xd1: {  	s6 =	rddreg [dreg:$0x4];
	[sflag:s14] =	ssyncset.done $0x0  }
0xd2: {  	[sflag:s14] =	ssyncadd.s32 $0xFFFFF800;
	s6 =	sadd.s32 s12, s6  }
0xd3: {  	[tilespmem:s15], [sflag:$0x3] =	stream.linear.gather [hbm4b:s6+s3], $0x800, $0x38;
	[tilespmem:$0x1D000] =	vst v63  }
0xd4: {  	_ =	swait.ge [sflag:s14], $0x800  }
0xd5: {  	[sflag:s14] =	ssyncset.done $0x0  }
0xd6: {  	[sflag:s14] =	ssyncadd.s32 $0xFFFFF800  }
0xd7: {  	[tilespmem:s13], [sflag:$0x1] =	stream.indirect.gather [hbm4b:s4+s16], $0x80, s3, s16, $0xb8;
	[tilespmem:$0x1D000] =	vst v63  }
0xd8: {  	_ = 	snop  }
0xd9: {  	[tilespmem:s17], [sflag:$0x2] =	stream.indirect.gather [hbm4b:s4+s16], $0x80, s16, s16, $0xb8;
	[tilespmem:$0x1D000] =	vst v63  }
0xda: {  	_ =	swait.ge [sflag:s18], $0x4000  }
0xdb: {  	[sflag:s18] =	ssyncset.done $0x0  }
0xdc: {  	[sflag:s18] =	ssyncadd.s32 $0xFFFFC000  }
0xdd: {  	[spmem:s2] =	stream.indirect.scatter.add.f32 [tilespmem:s13], [sflag:$0x3], $0x80, s15, s16, $0xb8;
	[tilespmem:$0x1D000] =	vst v63  }
0xde: {  	_ =	swait.ge [sflag:s14], $0x4000  }
0xdf: {  	s11 =	smov.u32 s8;
	[sflag:s14] =	ssyncset.done $0x0  }
0xe0: {  	s12 =	smov.u32 s11;
	s11 =	rddreg [dreg:$0x6];
	[sflag:s14] =	ssyncadd.s32 $0xFFFFC000  }
0xe1: {  	[tilespmem:s13], [sflag:$0x1] =	stream.indirect.gather [hbm4b:s4+s16], $0x80, s11, s16, $0xb8;
	[tilespmem:$0x1D000] =	vst v63  }
0xe2: {  	_ =	swait.ge [sflag:s19], $0x4000  }
0xe3: {  	[sflag:s19] =	ssyncset.done $0x0  }
0xe4: {  	s11 =	rddreg [dreg:$0x7];
	[sflag:s19] =	ssyncadd.s32 $0xFFFFC000  }
0xe5: {  	[spmem:s2] =	stream.indirect.scatter.add.f32 [tilespmem:s17], [sflag:$0x3], $0x80, s11, s16, $0xb8;
	[tilespmem:$0x1D000] =	vst v63  }
0xe6: {  	_ =	swait.ge [sflag:s14], $0x4000  }
0xe7: {  	[sflag:s14] =	ssyncset.done $0x0  }
0xe8: {  	s11 =	rddreg [dreg:$0x8];
	[sflag:s14] =	ssyncadd.s32 $0xFFFFC000  }
0xe9: {  	[tilespmem:s17], [sflag:$0x2] =	stream.indirect.gather [hbm4b:s4+s16], $0x80, s11, s16, $0xb8;
	[tilespmem:$0x1D000] =	vst v63  }
0xea: {  	_ =	swait.ge [sflag:s18], $0x4000  }
0xeb: {  	[sflag:s18] =	ssyncset.done $0x0  }
0xec: {  	s11 =	rddreg [dreg:$0x9];
	[sflag:s18] =	ssyncadd.s32 $0xFFFFC000  }
0xed: {  	[spmem:s2] =	stream.indirect.scatter.add.f32 [tilespmem:s13], [sflag:$0x3], $0x80, s11, s16, $0xb8;
	[tilespmem:$0x1D000] =	vst v63  }
0xee: {  	_ =	swait.ge [sflag:s14], $0x4000  }
0xef: {  	[sflag:s14] =	ssyncset.done $0x0  }
0xf0: {  	s11 =	rddreg [dreg:$0xa];
	[sflag:s14] =	ssyncadd.s32 $0xFFFFC000  }
0xf1: {  	[tilespmem:s13], [sflag:$0x1] =	stream.indirect.gather [hbm4b:s4+s16], $0x80, s11, s16, $0xb8;
	[tilespmem:$0x1D000] =	vst v63  }
0xf2: {  	_ =	swait.ge [sflag:s19], $0x4000  }
0xf3: {  	[sflag:s19] =	ssyncset.done $0x0  }
0xf4: {  	s11 =	rddreg [dreg:$0xb];
	[sflag:s19] =	ssyncadd.s32 $0xFFFFC000  }
0xf5: {  	[spmem:s2] =	stream.indirect.scatter.add.f32 [tilespmem:s17], [sflag:$0x3], $0x80, s11, s16, $0xb8;
	[tilespmem:$0x1D000] =	vst v63  }
0xf6: {  	_ =	swait.ge [sflag:s14], $0x4000  }
0xf7: {  	[sflag:s14] =	ssyncset.done $0x0  }
0xf8: {  	s11 =	rddreg [dreg:$0xc];
	[sflag:s14] =	ssyncadd.s32 $0xFFFFC000  }
0xf9: {  	[tilespmem:s17], [sflag:$0x2] =	stream.indirect.gather [hbm4b:s4+s16], $0x80, s11, s16, $0xb8;
	[tilespmem:$0x1D000] =	vst v63  }
0xfa: {  	_ =	swait.ge [sflag:s18], $0x4000  }
0xfb: {  	[sflag:s18] =	ssyncset.done $0x0  }
0xfc: {  	s11 =	rddreg [dreg:$0xd];
	[sflag:s18] =	ssyncadd.s32 $0xFFFFC000  }
0xfd: {  	[spmem:s2] =	stream.indirect.scatter.add.f32 [tilespmem:s13], [sflag:$0x3], $0x80, s11, s16, $0xb8;
	[tilespmem:$0x1D000] =	vst v63  }
0xfe: {  	_ =	swait.ge [sflag:s14], $0x4000  }
0xff: {  	[sflag:s14] =	ssyncset.done $0x0  }
0x100: {  	s11 =	rddreg [dreg:$0xe];
	[sflag:s14] =	ssyncadd.s32 $0xFFFFC000  }
0x101: {  	[tilespmem:s13], [sflag:$0x1] =	stream.indirect.gather [hbm4b:s4+s16], $0x80, s11, s16, $0xb8;
	[tilespmem:$0x1D000] =	vst v63  }
0x102: {  	_ =	swait.ge [sflag:s19], $0x4000  }
0x103: {  	[sflag:s19] =	ssyncset.done $0x0  }
0x104: {  	s11 =	rddreg [dreg:$0xf];
	[sflag:s19] =	ssyncadd.s32 $0xFFFFC000  }
0x105: {  	[spmem:s2] =	stream.indirect.scatter.add.f32 [tilespmem:s17], [sflag:$0x3], $0x80, s11, s16, $0xb8;
	[tilespmem:$0x1D000] =	vst v63  }
0x106: {  	_ =	swait.ge [sflag:s14], $0x4000  }
0x107: {  	[sflag:s14] =	ssyncset.done $0x0  }
0x108: {  	s11 =	rddreg [dreg:$0x10];
	[sflag:s14] =	ssyncadd.s32 $0xFFFFC000  }
0x109: {  	[tilespmem:s17], [sflag:$0x2] =	stream.indirect.gather [hbm4b:s4+s16], $0x80, s11, s16, $0xb8;
	[tilespmem:$0x1D000] =	vst v63  }
0x10a: {  	_ =	swait.ge [sflag:s18], $0x4000  }
0x10b: {  	[sflag:s18] =	ssyncset.done $0x0  }
0x10c: {  	s11 =	rddreg [dreg:$0x11];
	[sflag:s18] =	ssyncadd.s32 $0xFFFFC000  }
0x10d: {  	[spmem:s2] =	stream.indirect.scatter.add.f32 [tilespmem:s13], [sflag:$0x3], $0x80, s11, s16, $0xb8;
	[tilespmem:$0x1D000] =	vst v63  }
0x10e: {  	_ =	swait.ge [sflag:s14], $0x4000  }
0x10f: {  	[sflag:s14] =	ssyncset.done $0x0  }
0x110: {  	[sflag:s14] =	ssyncadd.s32 $0xFFFFC000  }
0x111: {  	[tilespmem:s13], [sflag:$0x1] =	stream.indirect.gather [hbm4b:s4+s16], $0x80, s20, s16, $0xb8;
	[tilespmem:$0x1D000] =	vst v63  }
0x112: {  	_ =	swait.ge [sflag:s19], $0x4000  }
0x113: {  	[sflag:s19] =	ssyncset.done $0x0  }
0x114: {  	[sflag:s19] =	ssyncadd.s32 $0xFFFFC000  }
0x115: {  	[spmem:s2] =	stream.indirect.scatter.add.f32 [tilespmem:s17], [sflag:$0x3], $0x80, s21, s16, $0xb8;
	[tilespmem:$0x1D000] =	vst v63  }
0x116: {  	_ =	swait.ge [sflag:s14], $0x4000  }
0x117: {  	[sflag:s14] =	ssyncset.done $0x0  }
0x118: {  	[sflag:s14] =	ssyncadd.s32 $0xFFFFC000  }
0x119: {  	[tilespmem:s17], [sflag:$0x2] =	stream.indirect.gather [hbm4b:s4+s16], $0x80, s22, s16, $0xb8;
	[tilespmem:$0x1D000] =	vst v63  }
0x11a: {  	_ =	swait.ge [sflag:s18], $0x4000  }
0x11b: {  	[sflag:s18] =	ssyncset.done $0x0  }
0x11c: {  	[sflag:s18] =	ssyncadd.s32 $0xFFFFC000  }
0x11d: {  	[spmem:s2] =	stream.indirect.scatter.add.f32 [tilespmem:s13], [sflag:$0x3], $0x80, s23, s16, $0xb8;
	[tilespmem:$0x1D000] =	vst v63  }
0x11e: {  	_ =	swait.ge [sflag:s14], $0x4000  }
0x11f: {  	[sflag:s14] =	ssyncset.done $0x0  }
0x120: {  	[sflag:s14] =	ssyncadd.s32 $0xFFFFC000  }
0x121: {  	[tilespmem:s13], [sflag:$0x1] =	stream.indirect.gather [hbm4b:s4+s16], $0x80, s24, s16, $0xb8;
	[tilespmem:$0x1D000] =	vst v63  }
0x122: {  	_ =	swait.ge [sflag:s19], $0x4000  }
0x123: {  	[sflag:s19] =	ssyncset.done $0x0  }
0x124: {  	[sflag:s19] =	ssyncadd.s32 $0xFFFFC000  }
0x125: {  	[spmem:s2] =	stream.indirect.scatter.add.f32 [tilespmem:s17], [sflag:$0x3], $0x80, s25, s16, $0xb8;
	[tilespmem:$0x1D000] =	vst v63  }
0x126: {  	_ =	swait.ge [sflag:s14], $0x4000  }
0x127: {  	[sflag:s14] =	ssyncset.done $0x0  }
0x128: {  	[sflag:s14] =	ssyncadd.s32 $0xFFFFC000  }
0x129: {  	[tilespmem:s17], [sflag:$0x2] =	stream.indirect.gather [hbm4b:s4+s16], $0x80, s26, s16, $0xb8;
	[tilespmem:$0x1D000] =	vst v63  }
0x12a: {  	_ =	swait.ge [sflag:s18], $0x4000  }
0x12b: {  	[sflag:s18] =	ssyncset.done $0x0  }
0x12c: {  	[sflag:s18] =	ssyncadd.s32 $0xFFFFC000  }
0x12d: {  	[spmem:s2] =	stream.indirect.scatter.add.f32 [tilespmem:s13], [sflag:$0x3], $0x80, s28, s16, $0xb8;
	[tilespmem:$0x1D000] =	vst v63  }
0x12e: {  	_ =	swait.ge [sflag:s14], $0x4000  }
0x12f: {  	[sflag:s14] =	ssyncset.done $0x0  }
0x130: {  	[sflag:s14] =	ssyncadd.s32 $0xFFFFC000  }
0x131: {  	[tilespmem:s13], [sflag:$0x1] =	stream.indirect.gather [hbm4b:s4+s16], $0x80, s29, s16, $0xb8;
	[tilespmem:$0x1D000] =	vst v63  }
0x132: {  	_ =	swait.ge [sflag:s19], $0x4000  }
0x133: {  	[sflag:s19] =	ssyncset.done $0x0  }
0x134: {  	[sflag:s19] =	ssyncadd.s32 $0xFFFFC000  }
0x135: {  	[spmem:s2] =	stream.indirect.scatter.add.f32 [tilespmem:s17], [sflag:$0x3], $0x80, s30, s16, $0xb8;
	[tilespmem:$0x1D000] =	vst v63  }
0x136: {  	_ =	swait.ge [sflag:s14], $0x4000  }
0x137: {  	[sflag:s14] =	ssyncset.done $0x0  }
0x138: {  	[sflag:s14] =	ssyncadd.s32 $0xFFFFC000  }
0x139: {  	[tilespmem:s17], [sflag:$0x2] =	stream.indirect.gather [hbm4b:s4+s16], $0x80, s31, s16, $0xb8;
	[tilespmem:$0x1D000] =	vst v63  }
0x13a: {  	_ =	swait.ge [sflag:s18], $0x4000  }
0x13b: {  	[sflag:s18] =	ssyncset.done $0x0  }
0x13c: {  	[sflag:s18] =	ssyncadd.s32 $0xFFFFC000  }
0x13d: {  	[spmem:s2] =	stream.indirect.scatter.add.f32 [tilespmem:s13], [sflag:$0x3], $0x80, s0, s16, $0xb8;
	[tilespmem:$0x1D000] =	vst v63  }
0x13e: {  	_ =	swait.ge [sflag:s14], $0x4000  }
0x13f: {  	[sflag:s14] =	ssyncset.done $0x0  }
0x140: {  	[sflag:s14] =	ssyncadd.s32 $0xFFFFC000  }
0x141: {  	[tilespmem:s13], [sflag:$0x1] =	stream.indirect.gather [hbm4b:s4+s16], $0x80, s1, s16, $0xb8;
	[tilespmem:$0x1D000] =	vst v63  }
0x142: {  	_ =	swait.ge [sflag:s19], $0x4000  }
0x143: {  	[sflag:s19] =	ssyncset.done $0x0  }
0x144: {  	[sflag:s19] =	ssyncadd.s32 $0xFFFFC000  }
0x145: {  	[spmem:s2] =	stream.indirect.scatter.add.f32 [tilespmem:s17], [sflag:$0x3], $0x80, s5, s16, $0xb8;
	[tilespmem:$0x1D000] =	vst v63  }
0x146: {  	_ =	swait.ge [sflag:s14], $0x4000  }
0x147: {  	[sflag:s14] =	ssyncset.done $0x0  }
0x148: {  	[sflag:s14] =	ssyncadd.s32 $0xFFFFC000  }
0x149: {  	[tilespmem:s17], [sflag:$0x2] =	stream.indirect.gather [hbm4b:s4+s16], $0x80, s7, s16, $0xb8;
	[tilespmem:$0x1D000] =	vst v63  }
0x14a: {  	_ =	swait.ge [sflag:s18], $0x4000  }
0x14b: {  	[sflag:s18] =	ssyncset.done $0x0  }
0x14c: {  	[sflag:s18] =	ssyncadd.s32 $0xFFFFC000  }
0x14d: {  	[spmem:s2] =	stream.indirect.scatter.add.f32 [tilespmem:s13], [sflag:$0x3], $0x80, s9, s16, $0xb8;
	[tilespmem:$0x1D000] =	vst v63  }
0x14e: {  	_ =	swait.ge [sflag:s14], $0x4000  }
0x14f: {  	[sflag:s14] =	ssyncset.done $0x0  }
0x150: {  	[sflag:s14] =	ssyncadd.s32 $0xFFFFC000  }
0x151: {  	p1 =	seq.s32 s8, $0x900;
	_ =	swait.ge [sflag:s19], $0x4000  }
.Ltmp3:
0x152: {  	[sflag:s19] =	ssyncset.done $0x0;
	(pc) =	sbr.rel @!p1 .LBB2_3-.Ltmp3, $4  }
0x153: {  	[sflag:s19] =	ssyncadd.s32 $0xFFFFC000  }
0x154: {  	[spmem:s2] =	stream.indirect.scatter.add.f32 [tilespmem:s17], [sflag:$0x3], $0x80, s10, s16, $0xb8;
	[tilespmem:$0x1D000] =	vst v63  }
0x155: {  	_ =	swait.ge [sflag:s14], $0x4000  }
0x156: {  	s8 =	sadd.s32 $0x100, s8;
	s6 =	rddreg [dreg:$0x5];
	[sflag:s14] =	ssyncset.done $0x0  }
0x157: {  	[sflag:s14] =	ssyncadd.s32 $0xFFFFC000;
	s6 =	sadd.s32 s12, s6  }
0x158: {  	[tilespmem:s3], [sflag:$0x3] =	stream.linear.gather [hbm4b:s6+s3], $0x800, $0x38;
	[tilespmem:$0x1D000] =	vst v63  }
0x159: {  	_ =	swait.ge [sflag:s14], $0x800  }
0x15a: {  	s11 =	rddreg [dreg:$0x4];
	[sflag:s14] =	ssyncset.done $0x0  }
0x15b: {  	s6 =	sadd.s32 s12, s11;
	[sflag:s14] =	ssyncadd.s32 $0xFFFFF800  }
0x15c: {  	[tilespmem:s15], [sflag:$0x3] =	stream.linear.gather [hbm4b:s6+s3], $0x800, $0x38;
	[tilespmem:$0x1D000] =	vst v63  }
0x15d: {  	_ =	swait.ge [sflag:s14], $0x800  }
0x15e: {  	[sflag:s14] =	ssyncset.done $0x0  }
0x15f: {  	[sflag:s14] =	ssyncadd.s32 $0xFFFFF800  }
0x160: {  	[tilespmem:s13], [sflag:$0x1] =	stream.indirect.gather [hbm4b:s4+s16], $0x80, s3, s16, $0xb8;
	[tilespmem:$0x1D000] =	vst v63  }
0x161: {  	_ = 	snop  }
0x162: {  	[tilespmem:s17], [sflag:$0x2] =	stream.indirect.gather [hbm4b:s4+s16], $0x80, s16, s16, $0xb8;
	[tilespmem:$0x1D000] =	vst v63  }
0x163: {  	_ =	swait.ge [sflag:s18], $0x4000  }
0x164: {  	[sflag:s18] =	ssyncset.done $0x0  }
0x165: {  	[sflag:s18] =	ssyncadd.s32 $0xFFFFC000  }
0x166: {  	[spmem:s2] =	stream.indirect.scatter.add.f32 [tilespmem:s13], [sflag:$0x3], $0x80, s15, s16, $0xb8;
	[tilespmem:$0x1D000] =	vst v63  }
0x167: {  	_ =	swait.ge [sflag:s14], $0x4000  }
0x168: {  	[sflag:s14] =	ssyncset.done $0x0  }
0x169: {  	s12 =	rddreg [dreg:$0x6];
	[sflag:s14] =	ssyncadd.s32 $0xFFFFC000  }
0x16a: {  	[tilespmem:s13], [sflag:$0x1] =	stream.indirect.gather [hbm4b:s4+s16], $0x80, s12, s16, $0xb8;
	[tilespmem:$0x1D000] =	vst v63  }
0x16b: {  	_ =	swait.ge [sflag:s19], $0x4000  }
0x16c: {  	[sflag:s19] =	ssyncset.done $0x0  }
0x16d: {  	s8 =	rddreg [dreg:$0x7];
	[sflag:s19] =	ssyncadd.s32 $0xFFFFC000  }
0x16e: {  	[spmem:s2] =	stream.indirect.scatter.add.f32 [tilespmem:s17], [sflag:$0x3], $0x80, s8, s16, $0xb8;
	[tilespmem:$0x1D000] =	vst v63  }
0x16f: {  	_ =	swait.ge [sflag:s14], $0x4000  }
0x170: {  	[sflag:s14] =	ssyncset.done $0x0  }
0x171: {  	s11 =	rddreg [dreg:$0x8];
	[sflag:s14] =	ssyncadd.s32 $0xFFFFC000  }
0x172: {  	[tilespmem:s17], [sflag:$0x2] =	stream.indirect.gather [hbm4b:s4+s16], $0x80, s11, s16, $0xb8;
	[tilespmem:$0x1D000] =	vst v63  }
0x173: {  	_ =	swait.ge [sflag:s18], $0x4000  }
0x174: {  	[sflag:s18] =	ssyncset.done $0x0  }
0x175: {  	s12 =	rddreg [dreg:$0x9];
	[sflag:s18] =	ssyncadd.s32 $0xFFFFC000  }
0x176: {  	[spmem:s2] =	stream.indirect.scatter.add.f32 [tilespmem:s13], [sflag:$0x3], $0x80, s12, s16, $0xb8;
	[tilespmem:$0x1D000] =	vst v63  }
0x177: {  	_ =	swait.ge [sflag:s14], $0x4000  }
0x178: {  	[sflag:s14] =	ssyncset.done $0x0  }
0x179: {  	s8 =	rddreg [dreg:$0xa];
	[sflag:s14] =	ssyncadd.s32 $0xFFFFC000  }
0x17a: {  	[tilespmem:s13], [sflag:$0x1] =	stream.indirect.gather [hbm4b:s4+s16], $0x80, s8, s16, $0xb8;
	[tilespmem:$0x1D000] =	vst v63  }
0x17b: {  	_ =	swait.ge [sflag:s19], $0x4000  }
0x17c: {  	[sflag:s19] =	ssyncset.done $0x0  }
0x17d: {  	s11 =	rddreg [dreg:$0xb];
	[sflag:s19] =	ssyncadd.s32 $0xFFFFC000  }
0x17e: {  	[spmem:s2] =	stream.indirect.scatter.add.f32 [tilespmem:s17], [sflag:$0x3], $0x80, s11, s16, $0xb8;
	[tilespmem:$0x1D000] =	vst v63  }
0x17f: {  	_ =	swait.ge [sflag:s14], $0x4000  }
0x180: {  	[sflag:s14] =	ssyncset.done $0x0  }
0x181: {  	s12 =	rddreg [dreg:$0xc];
	[sflag:s14] =	ssyncadd.s32 $0xFFFFC000  }
0x182: {  	[tilespmem:s17], [sflag:$0x2] =	stream.indirect.gather [hbm4b:s4+s16], $0x80, s12, s16, $0xb8;
	[tilespmem:$0x1D000] =	vst v63  }
0x183: {  	_ =	swait.ge [sflag:s18], $0x4000  }
0x184: {  	[sflag:s18] =	ssyncset.done $0x0  }
0x185: {  	s8 =	rddreg [dreg:$0xd];
	[sflag:s18] =	ssyncadd.s32 $0xFFFFC000  }
0x186: {  	[spmem:s2] =	stream.indirect.scatter.add.f32 [tilespmem:s13], [sflag:$0x3], $0x80, s8, s16, $0xb8;
	[tilespmem:$0x1D000] =	vst v63  }
0x187: {  	_ =	swait.ge [sflag:s14], $0x4000  }
0x188: {  	[sflag:s14] =	ssyncset.done $0x0  }
0x189: {  	s11 =	rddreg [dreg:$0xe];
	[sflag:s14] =	ssyncadd.s32 $0xFFFFC000  }
0x18a: {  	[tilespmem:s13], [sflag:$0x1] =	stream.indirect.gather [hbm4b:s4+s16], $0x80, s11, s16, $0xb8;
	[tilespmem:$0x1D000] =	vst v63  }
0x18b: {  	_ =	swait.ge [sflag:s19], $0x4000  }
0x18c: {  	[sflag:s19] =	ssyncset.done $0x0  }
0x18d: {  	s12 =	rddreg [dreg:$0xf];
	[sflag:s19] =	ssyncadd.s32 $0xFFFFC000  }
0x18e: {  	[spmem:s2] =	stream.indirect.scatter.add.f32 [tilespmem:s17], [sflag:$0x3], $0x80, s12, s16, $0xb8;
	[tilespmem:$0x1D000] =	vst v63  }
0x18f: {  	_ =	swait.ge [sflag:s14], $0x4000  }
0x190: {  	[sflag:s14] =	ssyncset.done $0x0  }
0x191: {  	s8 =	rddreg [dreg:$0x10];
	[sflag:s14] =	ssyncadd.s32 $0xFFFFC000  }
0x192: {  	[tilespmem:s17], [sflag:$0x2] =	stream.indirect.gather [hbm4b:s4+s16], $0x80, s8, s16, $0xb8;
	[tilespmem:$0x1D000] =	vst v63  }
0x193: {  	_ =	swait.ge [sflag:s18], $0x4000  }
0x194: {  	[sflag:s18] =	ssyncset.done $0x0  }
0x195: {  	s11 =	rddreg [dreg:$0x11];
	[sflag:s18] =	ssyncadd.s32 $0xFFFFC000  }
0x196: {  	[spmem:s2] =	stream.indirect.scatter.add.f32 [tilespmem:s13], [sflag:$0x3], $0x80, s11, s16, $0xb8;
	[tilespmem:$0x1D000] =	vst v63  }
0x197: {  	_ =	swait.ge [sflag:s14], $0x4000  }
0x198: {  	[sflag:s14] =	ssyncset.done $0x0  }
0x199: {  	[sflag:s14] =	ssyncadd.s32 $0xFFFFC000  }
0x19a: {  	[tilespmem:s13], [sflag:$0x1] =	stream.indirect.gather [hbm4b:s4+s16], $0x80, s20, s16, $0xb8;
	[tilespmem:$0x1D000] =	vst v63  }
0x19b: {  	_ =	swait.ge [sflag:s19], $0x4000  }
0x19c: {  	[sflag:s19] =	ssyncset.done $0x0  }
0x19d: {  	[sflag:s19] =	ssyncadd.s32 $0xFFFFC000  }
0x19e: {  	[spmem:s2] =	stream.indirect.scatter.add.f32 [tilespmem:s17], [sflag:$0x3], $0x80, s21, s16, $0xb8;
	[tilespmem:$0x1D000] =	vst v63  }
0x19f: {  	_ =	swait.ge [sflag:s14], $0x4000  }
0x1a0: {  	[sflag:s14] =	ssyncset.done $0x0  }
0x1a1: {  	[sflag:s14] =	ssyncadd.s32 $0xFFFFC000  }
0x1a2: {  	[tilespmem:s17], [sflag:$0x2] =	stream.indirect.gather [hbm4b:s4+s16], $0x80, s22, s16, $0xb8;
	[tilespmem:$0x1D000] =	vst v63  }
0x1a3: {  	_ =	swait.ge [sflag:s18], $0x4000  }
0x1a4: {  	[sflag:s18] =	ssyncset.done $0x0  }
0x1a5: {  	[sflag:s18] =	ssyncadd.s32 $0xFFFFC000  }
0x1a6: {  	[spmem:s2] =	stream.indirect.scatter.add.f32 [tilespmem:s13], [sflag:$0x3], $0x80, s23, s16, $0xb8;
	[tilespmem:$0x1D000] =	vst v63  }
0x1a7: {  	_ =	swait.ge [sflag:s14], $0x4000  }
0x1a8: {  	[sflag:s14] =	ssyncset.done $0x0  }
0x1a9: {  	[sflag:s14] =	ssyncadd.s32 $0xFFFFC000  }
0x1aa: {  	[tilespmem:s13], [sflag:$0x1] =	stream.indirect.gather [hbm4b:s4+s16], $0x80, s24, s16, $0xb8;
	[tilespmem:$0x1D000] =	vst v63  }
0x1ab: {  	_ =	swait.ge [sflag:s19], $0x4000  }
0x1ac: {  	[sflag:s19] =	ssyncset.done $0x0  }
0x1ad: {  	[sflag:s19] =	ssyncadd.s32 $0xFFFFC000  }
0x1ae: {  	[spmem:s2] =	stream.indirect.scatter.add.f32 [tilespmem:s17], [sflag:$0x3], $0x80, s25, s16, $0xb8;
	[tilespmem:$0x1D000] =	vst v63  }
0x1af: {  	_ =	swait.ge [sflag:s14], $0x4000  }
0x1b0: {  	[sflag:s14] =	ssyncset.done $0x0  }
0x1b1: {  	[sflag:s14] =	ssyncadd.s32 $0xFFFFC000  }
0x1b2: {  	[tilespmem:s17], [sflag:$0x2] =	stream.indirect.gather [hbm4b:s4+s16], $0x80, s26, s16, $0xb8;
	[tilespmem:$0x1D000] =	vst v63  }
0x1b3: {  	_ =	swait.ge [sflag:s18], $0x4000  }
0x1b4: {  	[sflag:s18] =	ssyncset.done $0x0  }
0x1b5: {  	[sflag:s18] =	ssyncadd.s32 $0xFFFFC000  }
0x1b6: {  	[spmem:s2] =	stream.indirect.scatter.add.f32 [tilespmem:s13], [sflag:$0x3], $0x80, s28, s16, $0xb8;
	[tilespmem:$0x1D000] =	vst v63  }
0x1b7: {  	_ =	swait.ge [sflag:s14], $0x4000  }
0x1b8: {  	[sflag:s14] =	ssyncset.done $0x0  }
0x1b9: {  	[sflag:s14] =	ssyncadd.s32 $0xFFFFC000  }
0x1ba: {  	[tilespmem:s13], [sflag:$0x1] =	stream.indirect.gather [hbm4b:s4+s16], $0x80, s29, s16, $0xb8;
	[tilespmem:$0x1D000] =	vst v63  }
0x1bb: {  	_ =	swait.ge [sflag:s19], $0x4000  }
0x1bc: {  	[sflag:s19] =	ssyncset.done $0x0  }
0x1bd: {  	[sflag:s19] =	ssyncadd.s32 $0xFFFFC000  }
0x1be: {  	[spmem:s2] =	stream.indirect.scatter.add.f32 [tilespmem:s17], [sflag:$0x3], $0x80, s30, s16, $0xb8;
	[tilespmem:$0x1D000] =	vst v63  }
0x1bf: {  	_ =	swait.ge [sflag:s14], $0x4000  }
0x1c0: {  	[sflag:s14] =	ssyncset.done $0x0  }
0x1c1: {  	[sflag:s14] =	ssyncadd.s32 $0xFFFFC000  }
0x1c2: {  	[tilespmem:s17], [sflag:$0x2] =	stream.indirect.gather [hbm4b:s4+s16], $0x80, s31, s16, $0xb8;
	[tilespmem:$0x1D000] =	vst v63  }
0x1c3: {  	_ =	swait.ge [sflag:s18], $0x4000  }
0x1c4: {  	[sflag:s18] =	ssyncset.done $0x0  }
0x1c5: {  	[sflag:s18] =	ssyncadd.s32 $0xFFFFC000  }
0x1c6: {  	[spmem:s2] =	stream.indirect.scatter.add.f32 [tilespmem:s13], [sflag:$0x3], $0x80, s0, s16, $0xb8;
	[tilespmem:$0x1D000] =	vst v63  }
0x1c7: {  	_ =	swait.ge [sflag:s14], $0x4000  }
0x1c8: {  	[sflag:s14] =	ssyncset.done $0x0  }
0x1c9: {  	[sflag:s14] =	ssyncadd.s32 $0xFFFFC000  }
0x1ca: {  	[tilespmem:s13], [sflag:$0x1] =	stream.indirect.gather [hbm4b:s4+s16], $0x80, s1, s16, $0xb8;
	[tilespmem:$0x1D000] =	vst v63  }
0x1cb: {  	_ =	swait.ge [sflag:s19], $0x4000  }
0x1cc: {  	[sflag:s19] =	ssyncset.done $0x0  }
0x1cd: {  	[sflag:s19] =	ssyncadd.s32 $0xFFFFC000  }
0x1ce: {  	[spmem:s2] =	stream.indirect.scatter.add.f32 [tilespmem:s17], [sflag:$0x3], $0x80, s5, s16, $0xb8;
	[tilespmem:$0x1D000] =	vst v63  }
0x1cf: {  	_ =	swait.ge [sflag:s14], $0x4000  }
0x1d0: {  	[sflag:s14] =	ssyncset.done $0x0  }
0x1d1: {  	[sflag:s14] =	ssyncadd.s32 $0xFFFFC000  }
0x1d2: {  	[tilespmem:s17], [sflag:$0x2] =	stream.indirect.gather [hbm4b:s4+s16], $0x80, s7, s16, $0xb8;
	[tilespmem:$0x1D000] =	vst v63  }
0x1d3: {  	_ =	swait.ge [sflag:s18], $0x4000  }
0x1d4: {  	[sflag:s18] =	ssyncset.done $0x0  }
0x1d5: {  	[sflag:s18] =	ssyncadd.s32 $0xFFFFC000  }
0x1d6: {  	[spmem:s2] =	stream.indirect.scatter.add.f32 [tilespmem:s13], [sflag:$0x3], $0x80, s9, s16, $0xb8;
	[tilespmem:$0x1D000] =	vst v63  }
0x1d7: {  	_ =	swait.ge [sflag:s14], $0x4000  }
0x1d8: {  	[sflag:s14] =	ssyncset.done $0x0  }
0x1d9: {  	[sflag:s14] =	ssyncadd.s32 $0xFFFFC000  }
0x1da: {  	_ =	swait.ge [sflag:s19], $0x4000  }
0x1db: {  	[sflag:s19] =	ssyncset.done $0x0  }
0x1dc: {  	[sflag:s19] =	ssyncadd.s32 $0xFFFFC000  }
0x1dd: {  	[spmem:s2] =	stream.indirect.scatter.add.f32 [tilespmem:s17], [sflag:$0x3], $0x80, s10, s16, $0xb8;
	[tilespmem:$0x1D000] =	vst v63  }
0x1de: {  	_ =	swait.ge [sflag:s14], $0x4000  }
0x1df: {  	[sflag:s14] =	ssyncset.done $0x0  }
0x1e0: {  	s12 =	stileid.u32;
	[sflag:s14] =	ssyncadd.s32 $0xFFFFC000  }
0x1e1: {  	s6 =	sshll.u32 s12, $0x6;
	[bflag:$0x0] =	sbarrier.arrive $0xFFFF  }
0x1e2: {  	s6 =	sor.u32 $0x1C03, s6;
	s11 =	rddreg [dreg:$0x13]  }
.Ltmp4:
0x1e3: {  	s12 =	rddreg [dreg:$0x14];
	s8 =	sshrl.u32 s11, $0x3;
	(pc) =	sbr.rel .LBB2_5-.Ltmp4, $4  }
0x1e4: {  	[hbm:s12], [sflag:s6] =	dma.local [spmem:s8], $0x2800  }
0x1e5: {  	_ =	swait.ge [sflag:s14], $0x2800  }
0x1e6: {  	[sflag:s14] =	ssyncset.done $0x0;
	s8 =	rddreg [dreg:$0x15]  }
0x1e7: {  	s6 =	rddreg [dreg:$0x1a];
	[sflag:s14] =	ssyncadd.s32 $0xFFFFD800  }
.LBB2_6:
0x1e8: {  	_ =	sfence.sel $0x180000  }
0x1e9: {  	[bflag:$0x0] =	sbarrier.arrive $0xFFFF  }
0x1ea: {  	_ =	strace $0x9000004A  }
0x1eb: {  	s0 =	stileid.u32;
	[bflag:$0x2] =	sbarrier.arrive $0xFFFF  }
0x1ec: {  	p0 =	sne.s32 s0, $0x0;
	s0 =	rddreg [dreg:$0x3]  }
0x1ed: {  	s0 =	sadd.s32 @!p0 $0x100000, s0  }
0x1ee: {  	[sflag:s0] =	ssyncadd.tile.s32 @!p0 $0x1;
	_ =	shalt  }
.Lfunc_end2:
_tile_overlayer_lowered:
.L_overlay_start_2:
0x1ef: {  	(tag) =	ssettag $0x2  }
0x1f0: {  	s0 =	rddreg [dreg:$0x0];
	s2 =	stileid.u32  }
0x1f1: {  	s1 =	rddreg [dreg:$0x1];
	p0 =	sne.s32 s2, $0x0  }
0x1f2: {  	s3 =	rddreg [dreg:$0x2];
	[bflag:$0x3] =	sbarrier.arrive $0xFFFF;
	s2 =	simm.s32 @!p0 $0x1C03  }
0x1f3: {  	[timem:s3], [sflag:s2] =	dma.local @!p0 [hbm:s0], s1  }
0x1f4: {  	s0 =	simm.s32 @!p0 $0x3  }
0x1f5: {  	_ =	swait.ge @!p0 [sflag:s0], s1  }
0x1f6: {  	s1 =	ssub.s32 @!p0 $0x0, s1;
	[sflag:s0] =	ssyncset.done @!p0 $0x0  }
0x1f7: {  	[sflag:s0] =	ssyncadd.s32 @!p0 s1  }
0x1f8: {  	[bflag:$0x3] =	sbarrier.arrive $0xFFFF  }
0x1f9: {  	_ =	shalt  }

// kernel: kernel.14.cloned.1.call-start
scs
__scs_entry_jumppad:
0x0: {  	(pc) =	sbr.rel $0x88, $3  }
0x1: {  	(tag) =	ssettag $0x0;
	lr =	simm.s32 $0x1  }
0x2: {  	[smem:$0x3F9B] =	sst lr;
	_ =	strace $0xD0000000  }
0x3: {  	_ = 	snop  }
0x4: {  	_ = 	snop  }
0x5: {  	_ = 	snop  }
0x6: {  	_ = 	snop  }
0x7: {  	_ = 	snop  }
__scs_overlays_trampoline_lowered:
0x8: {  	[smem:$0x3FAA] =	sst s0  }
0x9: {  	[smem:$0x3FAB] =	sst s1  }
0xa: {  	[smem:$0x3FAC] =	sst s2  }
0xb: {  	[smem:$0x3FAD] =	sst s3  }
0xc: {  	[smem:$0x3FAE] =	sst s4  }
0xd: {  	[smem:$0x3FAF] =	sst s5  }
0xe: {  	[smem:$0x3FB0] =	sst s6  }
0xf: {  	[smem:$0x3FB1] =	sst s7  }
0x10: {  	[smem:$0x3FB2] =	sst s8  }
0x11: {  	[smem:$0x3FB3] =	sst s9;
	s0 =	simm.s32 @!p0 $0x0  }
0x12: {  	s1 =	sld [smem:$0x3F99];
	s0 =	simm.s32 @p0 $0x1  }
0x13: {  	[smem:$0x3FB4] =	sst s0;
	s0 =	simm.s32 @!p1 $0x0  }
0x14: {  	s2 =	sld [smem:$0x3F98];
	s0 =	simm.s32 @p1 $0x1  }
0x15: {  	[smem:$0x3FB5] =	sst s0;
	s0 =	simm.s32 @!p2 $0x0  }
0x16: {  	s3 =	sld [smem:$0x3FDB];
	s0 =	simm.s32 @p2 $0x1  }
0x17: {  	s4 =	simm.s32 $0x1BF5;
	[smem:$0x3FB7] =	sst s0  }
0x18: {  	s0 =	sld [smem:$0x3F9A];
	_ =	swait.ge [sflag:s4], $0x0  }
0x19: {  	s7 =	sld [smem:$0x3F9B]  }
0x1a: {  	s8 =	sadd.s32 $0xFFFFE003, lr  }
0x1b: {  	s9 =	sadd.s32 $0xFFFFFEF7, lr;
	s5 =	simm.s32 $0xFFFFFFFF;
	p2 =	slt.u32 s8, $0xFFFFF086  }
0x1c: {  	p1 =	slt.u32 s9, $0xF7A;
	s5 =	simm.s32 @!p2 $0x0  }
0x1d: {  	s5 =	simm.s32 @p1 $0x1;
	p0 =	seq.s32 s7, s2  }
0x1e: {  	s7 =	smul.u32 @!p0 $0xF7A, s2;
	p2 =	seq.s32 @!p0 s5, $0x0  }
0x1f: {  	s9 =	smul.u32 $0xF7A, s1;
	s8 =	simm.s32 @!p0 $0x1BF5;
	p2 =	por !p2, p0  }
0x20: {  	[sflag:s8] =	ssyncset.s32 @!p0 $0xFFFFF086;
	s6 =	sadd.s32 @!p0 s3, s7;
	s7 =	simm.s32 @!p0 $0x108  }
0x21: {  	s3 =	sadd.s32 s3, s9;
	s6 =	sadd.s32 @!p0 $0x88, s6;
	s7 =	simm.s32 @p2 $0x1082  }
0x22: {  	[simem:s7], [sflag:s8] =	dma.local @!p0 [hbm:s6], $0xF7A  }
0x23: {  	s9 =	sor.u32 $0xD0000000, s2;
	s6 =	simm.s32 $0x108;
	_ =	swait.ge @!p0 [sflag:s8], $0x0  }
0x24: {  	s3 =	sadd.s32 $0x88, s3;
	s6 =	simm.s32 @!p1 $0x1082;
	[sflag:s4] =	ssyncset.s32 $0xFFFFF086  }
0x25: {  	[simem:s6], [sflag:s4] =	dma.local [hbm:s3], $0xF7A  }
0x26: {  	[smem:$0x3F9B] =	sst s1;
	(tag) =	ssettag s2;
	_ =	strace s9  }
0x27: {  	s1 =	sld [smem:$0x3FAB]  }
0x28: {  	s2 =	sld [smem:$0x3FAC]  }
0x29: {  	s4 =	sld [smem:$0x3FAE]  }
0x2a: {  	p0 =	seq.s32 s5, $0x0;
	s5 =	sld [smem:$0x3FAF]  }
0x2b: {  	s6 =	sld [smem:$0x3FB0]  }
0x2c: {  	s7 =	sld [smem:$0x3FB1]  }
0x2d: {  	s3 =	simm.s32 $0x108;
	s8 =	sld [smem:$0x3FB2]  }
0x2e: {  	s3 =	simm.s32 @!p0 $0x1082;
	s9 =	sld [smem:$0x3FB3]  }
0x2f: {  	lr =	sadd.s32 s0, s3;
	s0 =	sld [smem:$0x3FAA]  }
0x30: {  	s3 =	sld [smem:$0x3FAD]  }
0x31: {  	[smem:$0x3FB6] =	sst s10  }
0x32: {  	s10 =	sld [smem:$0x3FB4];
	_ =	sdelay $0x3  }
0x33: {  	p0 =	seq.s32 s10, $0x1;
	s10 =	sld [smem:$0x3FB6];
	_ =	sdelay $0x3  }
0x34: {  	[smem:$0x3FB6] =	sst s10  }
0x35: {  	s10 =	sld [smem:$0x3FB5];
	_ =	sdelay $0x3  }
0x36: {  	p1 =	seq.s32 s10, $0x1;
	s10 =	sld [smem:$0x3FB6];
	_ =	sdelay $0x3  }
0x37: {  	[smem:$0x3FB6] =	sst s10  }
0x38: {  	s10 =	sld [smem:$0x3FB7]  }
0x39: {  	_ = 	snop;
	(pc) =	sbr.ind lr, $3  }
0x3a: {  	_ = 	snop  }
0x3b: {  	_ = 	snop  }
0x3c: {  	p2 =	seq.s32 s10, $0x1;
	s10 =	sld [smem:$0x3FB6]  }
0x3d: {  	_ =	shalt  }
0x3e: {  	_ =	shalt  }
0x3f: {  	_ =	shalt  }
0x40: {  	_ =	shalt  }
0x41: {  	_ =	shalt  }
0x42: {  	_ =	shalt  }
0x43: {  	_ =	shalt  }
0x44: {  	_ =	shalt  }
0x45: {  	_ =	shalt  }
0x46: {  	_ =	shalt  }
0x47: {  	_ =	shalt  }
0x48: {  	_ =	shalt  }
0x49: {  	_ =	shalt  }
0x4a: {  	_ =	shalt  }
0x4b: {  	_ =	shalt  }
0x4c: {  	_ =	shalt  }
0x4d: {  	_ =	shalt  }
0x4e: {  	_ =	shalt  }
0x4f: {  	_ =	shalt  }
0x50: {  	_ =	shalt  }
0x51: {  	_ =	shalt  }
0x52: {  	_ =	shalt  }
0x53: {  	_ =	shalt  }
0x54: {  	_ =	shalt  }
0x55: {  	_ =	shalt  }
0x56: {  	_ =	shalt  }
0x57: {  	_ =	shalt  }
0x58: {  	_ =	shalt  }
0x59: {  	_ =	shalt  }
0x5a: {  	_ =	shalt  }
0x5b: {  	_ =	shalt  }
0x5c: {  	_ =	shalt  }
0x5d: {  	_ =	shalt  }
0x5e: {  	_ =	shalt  }
0x5f: {  	_ =	shalt  }
0x60: {  	_ =	shalt  }
0x61: {  	_ =	shalt  }
0x62: {  	_ =	shalt  }
0x63: {  	_ =	shalt  }
0x64: {  	_ =	shalt  }
0x65: {  	_ =	shalt  }
0x66: {  	_ =	shalt  }
0x67: {  	_ =	shalt  }
0x68: {  	_ =	shalt  }
0x69: {  	_ =	shalt  }
0x6a: {  	_ =	shalt  }
0x6b: {  	_ =	shalt  }
0x6c: {  	_ =	shalt  }
0x6d: {  	_ =	shalt  }
0x6e: {  	_ =	shalt  }
0x6f: {  	_ =	shalt  }
0x70: {  	_ =	shalt  }
0x71: {  	_ =	shalt  }
0x72: {  	_ =	shalt  }
0x73: {  	_ =	shalt  }
0x74: {  	_ =	shalt  }
0x75: {  	_ =	shalt  }
0x76: {  	_ =	shalt  }
0x77: {  	_ =	shalt  }
0x78: {  	_ =	shalt  }
0x79: {  	_ =	shalt  }
0x7a: {  	_ =	shalt  }
0x7b: {  	_ =	shalt  }
0x7c: {  	_ =	shalt  }
0x7d: {  	_ =	shalt  }
0x7e: {  	_ =	shalt  }
0x7f: {  	_ =	shalt  }
0x80: {  	_ =	shalt  }
0x81: {  	_ =	shalt  }
0x82: {  	_ =	shalt  }
0x83: {  	_ =	shalt  }
0x84: {  	_ =	shalt  }
0x85: {  	_ =	shalt  }
0x86: {  	_ =	shalt  }
0x87: {  	_ =	shalt  }
.Lfunc_end0:
.L_simem_size_0:
called_computation.2_lowered:
.L_overlay_start_0:
0x88: {  	s2 =	sld [smem:$0x3FD9]  }
0x89: {  	s3 =	sld [smem:$0x3FFE];
	_ =	sdelay $0x1  }
0x8a: {  	s1 =	srdreg.scid  }
0x8b: {  	s0 =	sand.u32 $0x1, s1  }
0x8c: {  	s17 =	sshll.u32 s0, $0xA;
	s2 =	sadd.s32 s3, s2  }
0x8d: {  	s2 =	sadd.s32 s2, s17  }
0x8e: {  	[smem:$0x3FC2] =	sst s2  }
0x8f: {  	_ = 	snop  }
0x90: {  	s2 =	sld [smem:$0x3FD0];
	(tm) =	ssettm $0x1  }
0x91: {  	s18 =	sld [smem:$0x3FFB];
	_ =	sdelay $0x3  }
0x92: {  	_ =	strace s18  }
0x93: {  	s3 =	sld [smem:$0x3FFC];
	_ =	sdelay $0x3  }
0x94: {  	_ =	strace s3  }
0x95: {  	s3 =	sld [smem:$0x3FFD];
	_ =	sdelay $0x3  }
0x96: {  	_ =	strace s3  }
0x97: {  	_ =	strace $0x8FFFFFFF  }
0x98: {  	s19 =	sld [smem:$0x3FDB];
	_ =	sdelay $0x1  }
0x99: {  	s4 =	simm.s32 $_scs_section_size  }
0x9a: {  	s5 =	simm.s32 $_size__tile_overlayer_lowered;
	s6 =	simm.s32 $_tile_overlayer_lowered  }
0x9b: {  	s22 =	simm.s32 $0x1BFF;
	s21 =	sshll.u32 s6, $0x1;
	s3 =	sadd.s32 s4, s19  }
0x9c: {  	s7 =	simm.s32 $0x0;
	s20 =	sshll.u32 s5, $0x1;
	s5 =	sadd.s32 s21, s3  }
0x9d: {  	[timem:s7], [sflag:s22] =	dma.local [hbm:s5], s20  }
0x9e: {  	_ =	swait.ge [sflag:s22], s20  }
0x9f: {  	s4 =	ssub.s32 $0x0, s20;
	[sflag:s22] =	ssyncset.done $0x0  }
0xa0: {  	[sflag:s22] =	ssyncadd.s32 s4;
	_ =	sdelay $0x1  }
0xa1: {  	s23 =	simm.s32 $0x1B8B  }
0xa2: {  	_ =	swait.ge [sflag:s23], $0x1  }
0xa3: {  	[sflag:s23] =	ssyncset.done $0x0  }
0xa4: {  	s25 =	simm.s32 $0x1B8E;
	s24 =	sld [smem:$0x3FFE];
	[sflag:s23] =	ssyncadd.s32 $0xFFFFFFFF  }
0xa5: {  	s26 =	simm.s32 $execute0_lowered;
	[smem:$0x3FD2] =	sst s25  }
0xa6: {  	s5 =	sshll.u32 s26, $0x1;
	_ =	strace $0x8000004C;
	[dreg:$0x1] =	wrdreg $0xFFFFFFFF  }
0xa7: {  	s28 =	simm.s32 $_size_execute0_lowered;
	s3 =	sadd.s32 s3, s5;
	[dreg:$0x0] =	wrdreg $0x0  }
0xa8: {  	s5 =	sshll.u32 s28, $0x1;
	[dreg:$0x2] =	wrdreg s3  }
0xa9: {  	[dreg:$0x3] =	wrdreg s5  }
0xaa: {  	[dreg:$0x4] =	wrdreg $0xC0  }
0xab: {  	_ =	task [dreg:s7], $0x5FFFF  }
0xac: {  	[dreg:$0x1] =	wrdreg $0xFFFFFFFF  }
0xad: {  	[dreg:$0x0] =	wrdreg $0x60  }
0xae: {  	[dreg:$0x2] =	wrdreg s24  }
0xaf: {  	[dreg:$0x3] =	wrdreg s2  }
0xb0: {  	[dreg:$0x4] =	wrdreg $0x90000  }
0xb1: {  	[dreg:$0x5] =	wrdreg $0x9  }
0xb2: {  	_ =	task.clear_ibuf [dreg:s7], $0x6FFFF;
	_ =	strace $0x9000004C  }
0xb3: {  	s29 =	simm.s32 $0x9;
	_ =	strace $0x8000004E  }
0xb4: {  	_ =	swait.ge [sflag:s29], $0x1  }
0xb5: {  	[sflag:s29] =	ssyncadd.s32 $0xFFFFFFFF  }
0xb6: {  	_ =	strace $0x9000004E  }
0xb7: {  	_ =	sfence  }
0xb8: {  	s30 =	sld [smem:$0x0];
	_ =	sdelay $0x2  }
0xb9: {  	s31 =	sshll.u32 s1, $0xD;
	s1 =	sshrl.u32 s1, $0x2  }
0xba: {  	s3 =	sand.u32 $0x4000, s31;
	s1 =	sadd.s32 s1, s30  }
0xbb: {  	s0 =	sor.u32 s3, s0;
	s1 =	sshll.u32 s1, $0x11  }
0xbc: {  	s0 =	sor.u32 s1, s0  }
0xbd: {  	s0 =	sadd.s32 $0x8F2B, s0  }
0xbe: {  	[sflag:s0] =	ssyncadd.remote.s32 $0x1  }
0xbf: {  	_ =	sfence.sel $0xFFFF  }
0xc0: {  	[dreg:$0x0] =	wrdreg $0xFFFFFFFF;
	(pc) =	sbr.abs _section_cstart, $3  }
0xc1: {  	[dreg:$0x1] =	wrdreg $0xFFFFFFFF  }
0xc2: {  	_ =	task.clear_ibuf [dreg:s7], $0x2FFFF;
	_ =	strace $0x9FFFFFFF  }
0xc3: {  	(tm) =	ssettm $0x7FFFFFFF  }
tec
execute0_lowered:
.L_overlay_start_1:
0x0: {  	(tag) =	ssettag $0x1  }
0x1: {  	s0 =	rddreg [dreg:$0x0]  }
0x2: {  	s1 =	rddreg [dreg:$0x1]  }
0x3: {  	s2 =	rddreg [dreg:$0x2]  }
0x4: {  	s3 =	simm.s32 $0x0;
	s10 =	stileid.u32;
	s6 =	srdreg.scid  }
0x5: {  	s12 =	simm.s32 $0x880;
	s14 =	simm.s32 $0x180;
	s16 =	simm.s32 $0x900  }
0x6: {  	s18 =	simm.s32 $0x200;
	[smem:$0x7FF] =	sst s3;
	s11 =	sadd.s32 $0x2A00, s0  }
0x7: {  	s20 =	simm.s32 $0x980;
	_ =	strace $0x8000004D;
	[dreg:$0x12] =	wrdreg s11  }
0x8: {  	s21 =	simm.s32 $0x280;
	s22 =	simm.s32 $0xA00;
	[dreg:$0x7] =	wrdreg s12  }
0x9: {  	s23 =	simm.s32 $0x300;
	s24 =	simm.s32 $0xA80;
	[dreg:$0x8] =	wrdreg s14  }
0xa: {  	s28 =	simm.s32 $0xD00;
	s29 =	simm.s32 $0x600;
	[dreg:$0x9] =	wrdreg s16  }
0xb: {  	s30 =	simm.s32 $0xD80;
	s31 =	simm.s32 $0x680;
	[dreg:$0xa] =	wrdreg s18  }
0xc: {  	s5 =	smul.u32 $0xA00, s10;
	s4 =	sadd.s32 $0x16A00, s0;
	[dreg:$0xb] =	wrdreg s20  }
0xd: {  	s7 =	smul.u32 $0x2800, s10;
	s6 =	sand.u32 $0x1, s6;
	[dreg:$0xc] =	wrdreg s21  }
0xe: {  	s10 =	smul.u32 $0x50000, s10;
	s9 =	ssub.s32 $0x2, s6;
	[dreg:$0xd] =	wrdreg s22  }
0xf: {  	p0 =	sne.s32 s6, $0x0;
	s14 =	simm.s32 $0x3;
	[dreg:$0xe] =	wrdreg s23  }
0x10: {  	s16 =	simm.s32 $0x80;
	[dreg:$0xf] =	wrdreg s24;
	s18 =	simm.s32 $0x1  }
0x11: {  	s20 =	simm.s32 $0x400;
	s21 =	simm.s32 $0xB80;
	s22 =	simm.s32 $0x480  }
0x12: {  	s23 =	simm.s32 $0xC00;
	s24 =	simm.s32 $0x500;
	s6 =	simm.s32 $0x0  }
0x13: {  	s8 =	sadd.s32 s5, s0;
	s0 =	sadd.s32 s7, s0;
	s25 =	sshrl.u32 s9, $0x1  }
0x14: {  	s26 =	sshrl.u32 s10, $0x2;
	s1 =	sadd.s32 s5, s1;
	s10 =	simm.s32 $0x100  }
0x15: {  	s5 =	simm.s32 $0xE80;
	s7 =	ssub.s32 s9, s25;
	[dreg:$0x4] =	wrdreg s1  }
0x16: {  	s11 =	sadd.s32 s26, s2;
	s0 =	sadd.s32 $0x3EA00, s0;
	[dreg:$0x6] =	wrdreg s10  }
0x17: {  	s9 =	sadd.s32 $0xCA00, s8;
	s25 =	simm.s32 $0x380;
	[dreg:$0x14] =	wrdreg s0  }
0x18: {  	s26 =	simm.s32 $0xB00;
	s1 =	simm.s32 $0x700;
	[dreg:$0x5] =	wrdreg s9  }
0x19: {  	s10 =	simm.s32 $0xF80;
	s8 =	smax.u32 s7, $0x1;
	[dreg:$0x10] =	wrdreg s25  }
0x1a: {  	s13 =	sadd.s32 $0x4000, s11;
	s15 =	sadd.s32 $0x8000, s11;
	[dreg:$0x11] =	wrdreg s26  }
0x1b: {  	s17 =	sadd.s32 $0xC000, s11;
	s19 =	sadd.s32 $0x10000, s11;
	[dreg:$0x13] =	wrdreg s11  }
.Ltmp0:
0x1c: {  	s25 =	simm.s32 $0xC80;
	[dreg:$0x16] =	wrdreg s13;
	(pc) =	sbr.rel .LBB2_1-.Ltmp0, $4  }
0x1d: {  	s26 =	simm.s32 $0x580;
	s0 =	simm.s32 $0xE00;
	[dreg:$0x17] =	wrdreg s15  }
0x1e: {  	s7 =	simm.s32 $0x780;
	s9 =	simm.s32 $0xF00;
	[dreg:$0x18] =	wrdreg s17  }
0x1f: {  	[dreg:$0x19] =	wrdreg s19;
	s13 =	simm.s32 $0x1000;
	s15 =	simm.s32 $0x800  }
0x20: {  	s17 =	simm.s32 $0x5000;
	s19 =	simm.s32 $0x2;
	[dreg:$0x15] =	wrdreg s8  }
.LBB2_7:
0x21: {  	[bflag:$0x0] =	sbarrier.arrive $0xFFFF  }
0x22: {  	[bflag:$0x0] =	sbarrier.arrive $0xFFFF  }
.LBB2_5:
0x23: {  	s6 =	sadd.s32 $0x1, s6  }
0x24: {  	p1 =	sne.s32 s6, s8  }
.Ltmp1:
0x25: {  	_ = 	snop;
	(pc) =	sbr.rel @!p1 .LBB2_6-.Ltmp1, $1  }
0x26: {  	_ =	sdelay $0x3  }
.LBB2_1:
.Ltmp2:
0x27: {  	(pc) =	sbr.rel @p0 .LBB2_7-.Ltmp2, $1  }
0x28: {  	_ =	sdelay $0x3  }
0x29: {  	[dreg:$0x1a] =	wrdreg s6  }
0x2a: {  	s12 =	simm.s32 $0x0;
	s8 =	rddreg [dreg:$0x12]  }
0x2b: {  	[tilespmem:s13], [sflag:$0x3] =	stream.linear.gather [hbm4b:s8+s12], $0x4000, $0x38;
	[tilespmem:$0x1D000] =	vst v63  }
0x2c: {  	_ =	swait.ge [sflag:s14], $0x4000  }
0x2d: {  	[sflag:s14] =	ssyncset.done $0x0  }
0x2e: {  	[sflag:s14] =	ssyncadd.s32 $0xFFFFC000  }
0x2f: {  	[spmem:s11] =	stream.linear.scatter [tilespmem:s13], [sflag:$0x3], $0x4000, $0x38;
	[tilespmem:$0x1D000] =	vst v63  }
0x30: {  	_ =	swait.ge [sflag:s14], $0x4000  }
0x31: {  	[sflag:s14] =	ssyncset.done $0x0  }
0x32: {  	s8 =	rddreg [dreg:$0x16];
	[sflag:s14] =	ssyncadd.s32 $0xFFFFC000  }
0x33: {  	[spmem:s8] =	stream.linear.scatter [tilespmem:s13], [sflag:$0x3], $0x4000, $0x38;
	[tilespmem:$0x1D000] =	vst v63  }
0x34: {  	_ =	swait.ge [sflag:s14], $0x4000  }
0x35: {  	[sflag:s14] =	ssyncset.done $0x0  }
0x36: {  	s11 =	rddreg [dreg:$0x17];
	[sflag:s14] =	ssyncadd.s32 $0xFFFFC000  }
0x37: {  	[spmem:s11] =	stream.linear.scatter [tilespmem:s13], [sflag:$0x3], $0x4000, $0x38;
	[tilespmem:$0x1D000] =	vst v63  }
0x38: {  	_ =	swait.ge [sflag:s14], $0x4000  }
0x39: {  	[sflag:s14] =	ssyncset.done $0x0  }
0x3a: {  	s12 =	rddreg [dreg:$0x18];
	[sflag:s14] =	ssyncadd.s32 $0xFFFFC000  }
0x3b: {  	[spmem:s12] =	stream.linear.scatter [tilespmem:s13], [sflag:$0x3], $0x4000, $0x38;
	[tilespmem:$0x1D000] =	vst v63  }
0x3c: {  	_ =	swait.ge [sflag:s14], $0x4000  }
0x3d: {  	[sflag:s14] =	ssyncset.done $0x0  }
0x3e: {  	s8 =	rddreg [dreg:$0x19];
	[sflag:s14] =	ssyncadd.s32 $0xFFFFC000  }
0x3f: {  	[spmem:s8] =	stream.linear.scatter [tilespmem:s13], [sflag:$0x3], $0x4000, $0x38;
	[tilespmem:$0x1D000] =	vst v63  }
0x40: {  	_ =	swait.ge [sflag:s14], $0x4000  }
0x41: {  	[sflag:s14] =	ssyncset.done $0x0  }
0x42: {  	[sflag:s14] =	ssyncadd.s32 $0xFFFFC000  }
0x43: {  	[bflag:$0x0] =	sbarrier.arrive $0xFFFF  }
0x44: {  	s11 =	rddreg [dreg:$0x5]  }
0x45: {  	s6 =	sadd.s32 $0x0, s11  }
0x46: {  	[tilespmem:s3], [sflag:$0x3] =	stream.linear.gather [hbm4b:s6+s3], $0x800, $0x38;
	[tilespmem:$0x1D000] =	vst v63  }
0x47: {  	_ =	swait.ge [sflag:s14], $0x800  }
0x48: {  	s12 =	rddreg [dreg:$0x4];
	[sflag:s14] =	ssyncset.done $0x0  }
0x49: {  	[sflag:s14] =	ssyncadd.s32 $0xFFFFF800;
	s6 =	sadd.s32 $0x0, s12  }
0x4a: {  	[tilespmem:s15], [sflag:$0x3] =	stream.linear.gather [hbm4b:s6+s3], $0x800, $0x38;
	[tilespmem:$0x1D000] =	vst v63  }
0x4b: {  	_ =	swait.ge [sflag:s14], $0x800  }
0x4c: {  	[sflag:s14] =	ssyncset.done $0x0  }
0x4d: {  	[sflag:s14] =	ssyncadd.s32 $0xFFFFF800  }
0x4e: {  	[tilespmem:s13], [sflag:$0x1] =	stream.indirect.gather [hbm4b:s4+s16], $0x80, s3, s16, $0xb8;
	[tilespmem:$0x1D000] =	vst v63  }
0x4f: {  	_ = 	snop  }
0x50: {  	[tilespmem:s17], [sflag:$0x2] =	stream.indirect.gather [hbm4b:s4+s16], $0x80, s16, s16, $0xb8;
	[tilespmem:$0x1D000] =	vst v63  }
0x51: {  	_ =	swait.ge [sflag:s18], $0x4000  }
0x52: {  	[sflag:s18] =	ssyncset.done $0x0  }
0x53: {  	[sflag:s18] =	ssyncadd.s32 $0xFFFFC000  }
0x54: {  	[spmem:s2] =	stream.indirect.scatter.add.f32 [tilespmem:s13], [sflag:$0x3], $0x80, s15, s16, $0xb8;
	[tilespmem:$0x1D000] =	vst v63  }
0x55: {  	_ =	swait.ge [sflag:s14], $0x4000  }
0x56: {  	[sflag:s14] =	ssyncset.done $0x0  }
0x57: {  	s8 =	rddreg [dreg:$0x6];
	[sflag:s14] =	ssyncadd.s32 $0xFFFFC000  }
0x58: {  	[tilespmem:s13], [sflag:$0x1] =	stream.indirect.gather [hbm4b:s4+s16], $0x80, s8, s16, $0xb8;
	[tilespmem:$0x1D000] =	vst v63  }
0x59: {  	_ =	swait.ge [sflag:s19], $0x4000  }
0x5a: {  	[sflag:s19] =	ssyncset.done $0x0  }
0x5b: {  	s11 =	rddreg [dreg:$0x7];
	[sflag:s19] =	ssyncadd.s32 $0xFFFFC000  }
0x5c: {  	[spmem:s2] =	stream.indirect.scatter.add.f32 [tilespmem:s17], [sflag:$0x3], $0x80, s11, s16, $0xb8;
	[tilespmem:$0x1D000] =	vst v63  }
0x5d: {  	_ =	swait.ge [sflag:s14], $0x4000  }
0x5e: {  	[sflag:s14] =	ssyncset.done $0x0  }
0x5f: {  	s12 =	rddreg [dreg:$0x8];
	[sflag:s14] =	ssyncadd.s32 $0xFFFFC000  }
0x60: {  	[tilespmem:s17], [sflag:$0x2] =	stream.indirect.gather [hbm4b:s4+s16], $0x80, s12, s16, $0xb8;
	[tilespmem:$0x1D000] =	vst v63  }
0x61: {  	_ =	swait.ge [sflag:s18], $0x4000  }
0x62: {  	[sflag:s18] =	ssyncset.done $0x0  }
0x63: {  	s8 =	rddreg [dreg:$0x9];
	[sflag:s18] =	ssyncadd.s32 $0xFFFFC000  }
0x64: {  	[spmem:s2] =	stream.indirect.scatter.add.f32 [tilespmem:s13], [sflag:$0x3], $0x80, s8, s16, $0xb8;
	[tilespmem:$0x1D000] =	vst v63  }
0x65: {  	_ =	swait.ge [sflag:s14], $0x4000  }
0x66: {  	[sflag:s14] =	ssyncset.done $0x0  }
0x67: {  	s11 =	rddreg [dreg:$0xa];
	[sflag:s14] =	ssyncadd.s32 $0xFFFFC000  }
0x68: {  	[tilespmem:s13], [sflag:$0x1] =	stream.indirect.gather [hbm4b:s4+s16], $0x80, s11, s16, $0xb8;
	[tilespmem:$0x1D000] =	vst v63  }
0x69: {  	_ =	swait.ge [sflag:s19], $0x4000  }
0x6a: {  	[sflag:s19] =	ssyncset.done $0x0  }
0x6b: {  	s12 =	rddreg [dreg:$0xb];
	[sflag:s19] =	ssyncadd.s32 $0xFFFFC000  }
0x6c: {  	[spmem:s2] =	stream.indirect.scatter.add.f32 [tilespmem:s17], [sflag:$0x3], $0x80, s12, s16, $0xb8;
	[tilespmem:$0x1D000] =	vst v63  }
0x6d: {  	_ =	swait.ge [sflag:s14], $0x4000  }
0x6e: {  	[sflag:s14] =	ssyncset.done $0x0  }
0x6f: {  	s8 =	rddreg [dreg:$0xc];
	[sflag:s14] =	ssyncadd.s32 $0xFFFFC000  }
0x70: {  	[tilespmem:s17], [sflag:$0x2] =	stream.indirect.gather [hbm4b:s4+s16], $0x80, s8, s16, $0xb8;
	[tilespmem:$0x1D000] =	vst v63  }
0x71: {  	_ =	swait.ge [sflag:s18], $0x4000  }
0x72: {  	[sflag:s18] =	ssyncset.done $0x0  }
0x73: {  	s11 =	rddreg [dreg:$0xd];
	[sflag:s18] =	ssyncadd.s32 $0xFFFFC000  }
0x74: {  	[spmem:s2] =	stream.indirect.scatter.add.f32 [tilespmem:s13], [sflag:$0x3], $0x80, s11, s16, $0xb8;
	[tilespmem:$0x1D000] =	vst v63  }
0x75: {  	_ =	swait.ge [sflag:s14], $0x4000  }
0x76: {  	[sflag:s14] =	ssyncset.done $0x0  }
0x77: {  	s12 =	rddreg [dreg:$0xe];
	[sflag:s14] =	ssyncadd.s32 $0xFFFFC000  }
0x78: {  	[tilespmem:s13], [sflag:$0x1] =	stream.indirect.gather [hbm4b:s4+s16], $0x80, s12, s16, $0xb8;
	[tilespmem:$0x1D000] =	vst v63  }
0x79: {  	_ =	swait.ge [sflag:s19], $0x4000  }
0x7a: {  	[sflag:s19] =	ssyncset.done $0x0  }
0x7b: {  	s8 =	rddreg [dreg:$0xf];
	[sflag:s19] =	ssyncadd.s32 $0xFFFFC000  }
0x7c: {  	[spmem:s2] =	stream.indirect.scatter.add.f32 [tilespmem:s17], [sflag:$0x3], $0x80, s8, s16, $0xb8;
	[tilespmem:$0x1D000] =	vst v63  }
0x7d: {  	_ =	swait.ge [sflag:s14], $0x4000  }
0x7e: {  	[sflag:s14] =	ssyncset.done $0x0  }
0x7f: {  	s11 =	rddreg [dreg:$0x10];
	[sflag:s14] =	ssyncadd.s32 $0xFFFFC000  }
0x80: {  	[tilespmem:s17], [sflag:$0x2] =	stream.indirect.gather [hbm4b:s4+s16], $0x80, s11, s16, $0xb8;
	[tilespmem:$0x1D000] =	vst v63  }
0x81: {  	_ =	swait.ge [sflag:s18], $0x4000  }
0x82: {  	[sflag:s18] =	ssyncset.done $0x0  }
0x83: {  	s12 =	rddreg [dreg:$0x11];
	[sflag:s18] =	ssyncadd.s32 $0xFFFFC000  }
0x84: {  	[spmem:s2] =	stream.indirect.scatter.add.f32 [tilespmem:s13], [sflag:$0x3], $0x80, s12, s16, $0xb8;
	[tilespmem:$0x1D000] =	vst v63  }
0x85: {  	_ =	swait.ge [sflag:s14], $0x4000  }
0x86: {  	[sflag:s14] =	ssyncset.done $0x0  }
0x87: {  	[sflag:s14] =	ssyncadd.s32 $0xFFFFC000  }
0x88: {  	[tilespmem:s13], [sflag:$0x1] =	stream.indirect.gather [hbm4b:s4+s16], $0x80, s20, s16, $0xb8;
	[tilespmem:$0x1D000] =	vst v63  }
0x89: {  	_ =	swait.ge [sflag:s19], $0x4000  }
0x8a: {  	[sflag:s19] =	ssyncset.done $0x0  }
0x8b: {  	[sflag:s19] =	ssyncadd.s32 $0xFFFFC000  }
0x8c: {  	[spmem:s2] =	stream.indirect.scatter.add.f32 [tilespmem:s17], [sflag:$0x3], $0x80, s21, s16, $0xb8;
	[tilespmem:$0x1D000] =	vst v63  }
0x8d: {  	_ =	swait.ge [sflag:s14], $0x4000  }
0x8e: {  	[sflag:s14] =	ssyncset.done $0x0  }
0x8f: {  	[sflag:s14] =	ssyncadd.s32 $0xFFFFC000  }
0x90: {  	[tilespmem:s17], [sflag:$0x2] =	stream.indirect.gather [hbm4b:s4+s16], $0x80, s22, s16, $0xb8;
	[tilespmem:$0x1D000] =	vst v63  }
0x91: {  	_ =	swait.ge [sflag:s18], $0x4000  }
0x92: {  	[sflag:s18] =	ssyncset.done $0x0  }
0x93: {  	[sflag:s18] =	ssyncadd.s32 $0xFFFFC000  }
0x94: {  	[spmem:s2] =	stream.indirect.scatter.add.f32 [tilespmem:s13], [sflag:$0x3], $0x80, s23, s16, $0xb8;
	[tilespmem:$0x1D000] =	vst v63  }
0x95: {  	_ =	swait.ge [sflag:s14], $0x4000  }
0x96: {  	[sflag:s14] =	ssyncset.done $0x0  }
0x97: {  	[sflag:s14] =	ssyncadd.s32 $0xFFFFC000  }
0x98: {  	[tilespmem:s13], [sflag:$0x1] =	stream.indirect.gather [hbm4b:s4+s16], $0x80, s24, s16, $0xb8;
	[tilespmem:$0x1D000] =	vst v63  }
0x99: {  	_ =	swait.ge [sflag:s19], $0x4000  }
0x9a: {  	[sflag:s19] =	ssyncset.done $0x0  }
0x9b: {  	[sflag:s19] =	ssyncadd.s32 $0xFFFFC000  }
0x9c: {  	[spmem:s2] =	stream.indirect.scatter.add.f32 [tilespmem:s17], [sflag:$0x3], $0x80, s25, s16, $0xb8;
	[tilespmem:$0x1D000] =	vst v63  }
0x9d: {  	_ =	swait.ge [sflag:s14], $0x4000  }
0x9e: {  	[sflag:s14] =	ssyncset.done $0x0  }
0x9f: {  	[sflag:s14] =	ssyncadd.s32 $0xFFFFC000  }
0xa0: {  	[tilespmem:s17], [sflag:$0x2] =	stream.indirect.gather [hbm4b:s4+s16], $0x80, s26, s16, $0xb8;
	[tilespmem:$0x1D000] =	vst v63  }
0xa1: {  	_ =	swait.ge [sflag:s18], $0x4000  }
0xa2: {  	[sflag:s18] =	ssyncset.done $0x0  }
0xa3: {  	[sflag:s18] =	ssyncadd.s32 $0xFFFFC000  }
0xa4: {  	[spmem:s2] =	stream.indirect.scatter.add.f32 [tilespmem:s13], [sflag:$0x3], $0x80, s28, s16, $0xb8;
	[tilespmem:$0x1D000] =	vst v63  }
0xa5: {  	_ =	swait.ge [sflag:s14], $0x4000  }
0xa6: {  	[sflag:s14] =	ssyncset.done $0x0  }
0xa7: {  	[sflag:s14] =	ssyncadd.s32 $0xFFFFC000  }
0xa8: {  	[tilespmem:s13], [sflag:$0x1] =	stream.indirect.gather [hbm4b:s4+s16], $0x80, s29, s16, $0xb8;
	[tilespmem:$0x1D000] =	vst v63  }
0xa9: {  	_ =	swait.ge [sflag:s19], $0x4000  }
0xaa: {  	[sflag:s19] =	ssyncset.done $0x0  }
0xab: {  	[sflag:s19] =	ssyncadd.s32 $0xFFFFC000  }
0xac: {  	[spmem:s2] =	stream.indirect.scatter.add.f32 [tilespmem:s17], [sflag:$0x3], $0x80, s30, s16, $0xb8;
	[tilespmem:$0x1D000] =	vst v63  }
0xad: {  	_ =	swait.ge [sflag:s14], $0x4000  }
0xae: {  	[sflag:s14] =	ssyncset.done $0x0  }
0xaf: {  	[sflag:s14] =	ssyncadd.s32 $0xFFFFC000  }
0xb0: {  	[tilespmem:s17], [sflag:$0x2] =	stream.indirect.gather [hbm4b:s4+s16], $0x80, s31, s16, $0xb8;
	[tilespmem:$0x1D000] =	vst v63  }
0xb1: {  	_ =	swait.ge [sflag:s18], $0x4000  }
0xb2: {  	[sflag:s18] =	ssyncset.done $0x0  }
0xb3: {  	[sflag:s18] =	ssyncadd.s32 $0xFFFFC000  }
0xb4: {  	[spmem:s2] =	stream.indirect.scatter.add.f32 [tilespmem:s13], [sflag:$0x3], $0x80, s0, s16, $0xb8;
	[tilespmem:$0x1D000] =	vst v63  }
0xb5: {  	_ =	swait.ge [sflag:s14], $0x4000  }
0xb6: {  	[sflag:s14] =	ssyncset.done $0x0  }
0xb7: {  	[sflag:s14] =	ssyncadd.s32 $0xFFFFC000  }
0xb8: {  	[tilespmem:s13], [sflag:$0x1] =	stream.indirect.gather [hbm4b:s4+s16], $0x80, s1, s16, $0xb8;
	[tilespmem:$0x1D000] =	vst v63  }
0xb9: {  	_ =	swait.ge [sflag:s19], $0x4000  }
0xba: {  	[sflag:s19] =	ssyncset.done $0x0  }
0xbb: {  	[sflag:s19] =	ssyncadd.s32 $0xFFFFC000  }
0xbc: {  	[spmem:s2] =	stream.indirect.scatter.add.f32 [tilespmem:s17], [sflag:$0x3], $0x80, s5, s16, $0xb8;
	[tilespmem:$0x1D000] =	vst v63  }
0xbd: {  	_ =	swait.ge [sflag:s14], $0x4000  }
0xbe: {  	[sflag:s14] =	ssyncset.done $0x0  }
0xbf: {  	[sflag:s14] =	ssyncadd.s32 $0xFFFFC000  }
0xc0: {  	[tilespmem:s17], [sflag:$0x2] =	stream.indirect.gather [hbm4b:s4+s16], $0x80, s7, s16, $0xb8;
	[tilespmem:$0x1D000] =	vst v63  }
0xc1: {  	_ =	swait.ge [sflag:s18], $0x4000  }
0xc2: {  	[sflag:s18] =	ssyncset.done $0x0  }
0xc3: {  	[sflag:s18] =	ssyncadd.s32 $0xFFFFC000  }
0xc4: {  	[spmem:s2] =	stream.indirect.scatter.add.f32 [tilespmem:s13], [sflag:$0x3], $0x80, s9, s16, $0xb8;
	[tilespmem:$0x1D000] =	vst v63  }
0xc5: {  	_ =	swait.ge [sflag:s14], $0x4000  }
0xc6: {  	[sflag:s14] =	ssyncset.done $0x0  }
0xc7: {  	[sflag:s14] =	ssyncadd.s32 $0xFFFFC000  }
0xc8: {  	_ =	swait.ge [sflag:s19], $0x4000  }
0xc9: {  	[sflag:s19] =	ssyncset.done $0x0  }
0xca: {  	[sflag:s19] =	ssyncadd.s32 $0xFFFFC000  }
0xcb: {  	[spmem:s2] =	stream.indirect.scatter.add.f32 [tilespmem:s17], [sflag:$0x3], $0x80, s10, s16, $0xb8;
	[tilespmem:$0x1D000] =	vst v63  }
0xcc: {  	s8 =	simm.s32 $0x200;
	_ =	swait.ge [sflag:s14], $0x4000  }
0xcd: {  	s12 =	simm.s32 $0x100;
	s6 =	rddreg [dreg:$0x5];
	[sflag:s14] =	ssyncset.done $0x0  }
.LBB2_3:
0xce: {  	[sflag:s14] =	ssyncadd.s32 $0xFFFFC000;
	s6 =	sadd.s32 s12, s6  }
0xcf: {  	[tilespmem:s3], [sflag:$0x3] =	stream.linear.gather [hbm4b:s6+s3], $0x800, $0x38;
	[tilespmem:$0x1D000] =	vst v63  }
0xd0: {  	_ =	swait.ge [sflag:s14], $0x800  }
0xd1: {  	s6 =	rddreg [dreg:$0x4];
	[sflag:s14] =	ssyncset.done $0x0  }
0xd2: {  	[sflag:s14] =	ssyncadd.s32 $0xFFFFF800;
	s6 =	sadd.s32 s12, s6  }
0xd3: {  	[tilespmem:s15], [sflag:$0x3] =	stream.linear.gather [hbm4b:s6+s3], $0x800, $0x38;
	[tilespmem:$0x1D000] =	vst v63  }
0xd4: {  	_ =	swait.ge [sflag:s14], $0x800  }
0xd5: {  	[sflag:s14] =	ssyncset.done $0x0  }
0xd6: {  	[sflag:s14] =	ssyncadd.s32 $0xFFFFF800  }
0xd7: {  	[tilespmem:s13], [sflag:$0x1] =	stream.indirect.gather [hbm4b:s4+s16], $0x80, s3, s16, $0xb8;
	[tilespmem:$0x1D000] =	vst v63  }
0xd8: {  	_ = 	snop  }
0xd9: {  	[tilespmem:s17], [sflag:$0x2] =	stream.indirect.gather [hbm4b:s4+s16], $0x80, s16, s16, $0xb8;
	[tilespmem:$0x1D000] =	vst v63  }
0xda: {  	_ =	swait.ge [sflag:s18], $0x4000  }
0xdb: {  	[sflag:s18] =	ssyncset.done $0x0  }
0xdc: {  	[sflag:s18] =	ssyncadd.s32 $0xFFFFC000  }
0xdd: {  	[spmem:s2] =	stream.indirect.scatter.add.f32 [tilespmem:s13], [sflag:$0x3], $0x80, s15, s16, $0xb8;
	[tilespmem:$0x1D000] =	vst v63  }
0xde: {  	_ =	swait.ge [sflag:s14], $0x4000  }
0xdf: {  	s11 =	smov.u32 s8;
	[sflag:s14] =	ssyncset.done $0x0  }
0xe0: {  	s12 =	smov.u32 s11;
	s11 =	rddreg [dreg:$0x6];
	[sflag:s14] =	ssyncadd.s32 $0xFFFFC000  }
0xe1: {  	[tilespmem:s13], [sflag:$0x1] =	stream.indirect.gather [hbm4b:s4+s16], $0x80, s11, s16, $0xb8;
	[tilespmem:$0x1D000] =	vst v63  }
0xe2: {  	_ =	swait.ge [sflag:s19], $0x4000  }
0xe3: {  	[sflag:s19] =	ssyncset.done $0x0  }
0xe4: {  	s11 =	rddreg [dreg:$0x7];
	[sflag:s19] =	ssyncadd.s32 $0xFFFFC000  }
0xe5: {  	[spmem:s2] =	stream.indirect.scatter.add.f32 [tilespmem:s17], [sflag:$0x3], $0x80, s11, s16, $0xb8;
	[tilespmem:$0x1D000] =	vst v63  }
0xe6: {  	_ =	swait.ge [sflag:s14], $0x4000  }
0xe7: {  	[sflag:s14] =	ssyncset.done $0x0  }
0xe8: {  	s11 =	rddreg [dreg:$0x8];
	[sflag:s14] =	ssyncadd.s32 $0xFFFFC000  }
0xe9: {  	[tilespmem:s17], [sflag:$0x2] =	stream.indirect.gather [hbm4b:s4+s16], $0x80, s11, s16, $0xb8;
	[tilespmem:$0x1D000] =	vst v63  }
0xea: {  	_ =	swait.ge [sflag:s18], $0x4000  }
0xeb: {  	[sflag:s18] =	ssyncset.done $0x0  }
0xec: {  	s11 =	rddreg [dreg:$0x9];
	[sflag:s18] =	ssyncadd.s32 $0xFFFFC000  }
0xed: {  	[spmem:s2] =	stream.indirect.scatter.add.f32 [tilespmem:s13], [sflag:$0x3], $0x80, s11, s16, $0xb8;
	[tilespmem:$0x1D000] =	vst v63  }
0xee: {  	_ =	swait.ge [sflag:s14], $0x4000  }
0xef: {  	[sflag:s14] =	ssyncset.done $0x0  }
0xf0: {  	s11 =	rddreg [dreg:$0xa];
	[sflag:s14] =	ssyncadd.s32 $0xFFFFC000  }
0xf1: {  	[tilespmem:s13], [sflag:$0x1] =	stream.indirect.gather [hbm4b:s4+s16], $0x80, s11, s16, $0xb8;
	[tilespmem:$0x1D000] =	vst v63  }
0xf2: {  	_ =	swait.ge [sflag:s19], $0x4000  }
0xf3: {  	[sflag:s19] =	ssyncset.done $0x0  }
0xf4: {  	s11 =	rddreg [dreg:$0xb];
	[sflag:s19] =	ssyncadd.s32 $0xFFFFC000  }
0xf5: {  	[spmem:s2] =	stream.indirect.scatter.add.f32 [tilespmem:s17], [sflag:$0x3], $0x80, s11, s16, $0xb8;
	[tilespmem:$0x1D000] =	vst v63  }
0xf6: {  	_ =	swait.ge [sflag:s14], $0x4000  }
0xf7: {  	[sflag:s14] =	ssyncset.done $0x0  }
0xf8: {  	s11 =	rddreg [dreg:$0xc];
	[sflag:s14] =	ssyncadd.s32 $0xFFFFC000  }
0xf9: {  	[tilespmem:s17], [sflag:$0x2] =	stream.indirect.gather [hbm4b:s4+s16], $0x80, s11, s16, $0xb8;
	[tilespmem:$0x1D000] =	vst v63  }
0xfa: {  	_ =	swait.ge [sflag:s18], $0x4000  }
0xfb: {  	[sflag:s18] =	ssyncset.done $0x0  }
0xfc: {  	s11 =	rddreg [dreg:$0xd];
	[sflag:s18] =	ssyncadd.s32 $0xFFFFC000  }
0xfd: {  	[spmem:s2] =	stream.indirect.scatter.add.f32 [tilespmem:s13], [sflag:$0x3], $0x80, s11, s16, $0xb8;
	[tilespmem:$0x1D000] =	vst v63  }
0xfe: {  	_ =	swait.ge [sflag:s14], $0x4000  }
0xff: {  	[sflag:s14] =	ssyncset.done $0x0  }
0x100: {  	s11 =	rddreg [dreg:$0xe];
	[sflag:s14] =	ssyncadd.s32 $0xFFFFC000  }
0x101: {  	[tilespmem:s13], [sflag:$0x1] =	stream.indirect.gather [hbm4b:s4+s16], $0x80, s11, s16, $0xb8;
	[tilespmem:$0x1D000] =	vst v63  }
0x102: {  	_ =	swait.ge [sflag:s19], $0x4000  }
0x103: {  	[sflag:s19] =	ssyncset.done $0x0  }
0x104: {  	s11 =	rddreg [dreg:$0xf];
	[sflag:s19] =	ssyncadd.s32 $0xFFFFC000  }
0x105: {  	[spmem:s2] =	stream.indirect.scatter.add.f32 [tilespmem:s17], [sflag:$0x3], $0x80, s11, s16, $0xb8;
	[tilespmem:$0x1D000] =	vst v63  }
0x106: {  	_ =	swait.ge [sflag:s14], $0x4000  }
0x107: {  	[sflag:s14] =	ssyncset.done $0x0  }
0x108: {  	s11 =	rddreg [dreg:$0x10];
	[sflag:s14] =	ssyncadd.s32 $0xFFFFC000  }
0x109: {  	[tilespmem:s17], [sflag:$0x2] =	stream.indirect.gather [hbm4b:s4+s16], $0x80, s11, s16, $0xb8;
	[tilespmem:$0x1D000] =	vst v63  }
0x10a: {  	_ =	swait.ge [sflag:s18], $0x4000  }
0x10b: {  	[sflag:s18] =	ssyncset.done $0x0  }
0x10c: {  	s11 =	rddreg [dreg:$0x11];
	[sflag:s18] =	ssyncadd.s32 $0xFFFFC000  }
0x10d: {  	[spmem:s2] =	stream.indirect.scatter.add.f32 [tilespmem:s13], [sflag:$0x3], $0x80, s11, s16, $0xb8;
	[tilespmem:$0x1D000] =	vst v63  }
0x10e: {  	_ =	swait.ge [sflag:s14], $0x4000  }
0x10f: {  	[sflag:s14] =	ssyncset.done $0x0  }
0x110: {  	[sflag:s14] =	ssyncadd.s32 $0xFFFFC000  }
0x111: {  	[tilespmem:s13], [sflag:$0x1] =	stream.indirect.gather [hbm4b:s4+s16], $0x80, s20, s16, $0xb8;
	[tilespmem:$0x1D000] =	vst v63  }
0x112: {  	_ =	swait.ge [sflag:s19], $0x4000  }
0x113: {  	[sflag:s19] =	ssyncset.done $0x0  }
0x114: {  	[sflag:s19] =	ssyncadd.s32 $0xFFFFC000  }
0x115: {  	[spmem:s2] =	stream.indirect.scatter.add.f32 [tilespmem:s17], [sflag:$0x3], $0x80, s21, s16, $0xb8;
	[tilespmem:$0x1D000] =	vst v63  }
0x116: {  	_ =	swait.ge [sflag:s14], $0x4000  }
0x117: {  	[sflag:s14] =	ssyncset.done $0x0  }
0x118: {  	[sflag:s14] =	ssyncadd.s32 $0xFFFFC000  }
0x119: {  	[tilespmem:s17], [sflag:$0x2] =	stream.indirect.gather [hbm4b:s4+s16], $0x80, s22, s16, $0xb8;
	[tilespmem:$0x1D000] =	vst v63  }
0x11a: {  	_ =	swait.ge [sflag:s18], $0x4000  }
0x11b: {  	[sflag:s18] =	ssyncset.done $0x0  }
0x11c: {  	[sflag:s18] =	ssyncadd.s32 $0xFFFFC000  }
0x11d: {  	[spmem:s2] =	stream.indirect.scatter.add.f32 [tilespmem:s13], [sflag:$0x3], $0x80, s23, s16, $0xb8;
	[tilespmem:$0x1D000] =	vst v63  }
0x11e: {  	_ =	swait.ge [sflag:s14], $0x4000  }
0x11f: {  	[sflag:s14] =	ssyncset.done $0x0  }
0x120: {  	[sflag:s14] =	ssyncadd.s32 $0xFFFFC000  }
0x121: {  	[tilespmem:s13], [sflag:$0x1] =	stream.indirect.gather [hbm4b:s4+s16], $0x80, s24, s16, $0xb8;
	[tilespmem:$0x1D000] =	vst v63  }
0x122: {  	_ =	swait.ge [sflag:s19], $0x4000  }
0x123: {  	[sflag:s19] =	ssyncset.done $0x0  }
0x124: {  	[sflag:s19] =	ssyncadd.s32 $0xFFFFC000  }
0x125: {  	[spmem:s2] =	stream.indirect.scatter.add.f32 [tilespmem:s17], [sflag:$0x3], $0x80, s25, s16, $0xb8;
	[tilespmem:$0x1D000] =	vst v63  }
0x126: {  	_ =	swait.ge [sflag:s14], $0x4000  }
0x127: {  	[sflag:s14] =	ssyncset.done $0x0  }
0x128: {  	[sflag:s14] =	ssyncadd.s32 $0xFFFFC000  }
0x129: {  	[tilespmem:s17], [sflag:$0x2] =	stream.indirect.gather [hbm4b:s4+s16], $0x80, s26, s16, $0xb8;
	[tilespmem:$0x1D000] =	vst v63  }
0x12a: {  	_ =	swait.ge [sflag:s18], $0x4000  }
0x12b: {  	[sflag:s18] =	ssyncset.done $0x0  }
0x12c: {  	[sflag:s18] =	ssyncadd.s32 $0xFFFFC000  }
0x12d: {  	[spmem:s2] =	stream.indirect.scatter.add.f32 [tilespmem:s13], [sflag:$0x3], $0x80, s28, s16, $0xb8;
	[tilespmem:$0x1D000] =	vst v63  }
0x12e: {  	_ =	swait.ge [sflag:s14], $0x4000  }
0x12f: {  	[sflag:s14] =	ssyncset.done $0x0  }
0x130: {  	[sflag:s14] =	ssyncadd.s32 $0xFFFFC000  }
0x131: {  	[tilespmem:s13], [sflag:$0x1] =	stream.indirect.gather [hbm4b:s4+s16], $0x80, s29, s16, $0xb8;
	[tilespmem:$0x1D000] =	vst v63  }
0x132: {  	_ =	swait.ge [sflag:s19], $0x4000  }
0x133: {  	[sflag:s19] =	ssyncset.done $0x0  }
0x134: {  	[sflag:s19] =	ssyncadd.s32 $0xFFFFC000  }
0x135: {  	[spmem:s2] =	stream.indirect.scatter.add.f32 [tilespmem:s17], [sflag:$0x3], $0x80, s30, s16, $0xb8;
	[tilespmem:$0x1D000] =	vst v63  }
0x136: {  	_ =	swait.ge [sflag:s14], $0x4000  }
0x137: {  	[sflag:s14] =	ssyncset.done $0x0  }
0x138: {  	[sflag:s14] =	ssyncadd.s32 $0xFFFFC000  }
0x139: {  	[tilespmem:s17], [sflag:$0x2] =	stream.indirect.gather [hbm4b:s4+s16], $0x80, s31, s16, $0xb8;
	[tilespmem:$0x1D000] =	vst v63  }
0x13a: {  	_ =	swait.ge [sflag:s18], $0x4000  }
0x13b: {  	[sflag:s18] =	ssyncset.done $0x0  }
0x13c: {  	[sflag:s18] =	ssyncadd.s32 $0xFFFFC000  }
0x13d: {  	[spmem:s2] =	stream.indirect.scatter.add.f32 [tilespmem:s13], [sflag:$0x3], $0x80, s0, s16, $0xb8;
	[tilespmem:$0x1D000] =	vst v63  }
0x13e: {  	_ =	swait.ge [sflag:s14], $0x4000  }
0x13f: {  	[sflag:s14] =	ssyncset.done $0x0  }
0x140: {  	[sflag:s14] =	ssyncadd.s32 $0xFFFFC000  }
0x141: {  	[tilespmem:s13], [sflag:$0x1] =	stream.indirect.gather [hbm4b:s4+s16], $0x80, s1, s16, $0xb8;
	[tilespmem:$0x1D000] =	vst v63  }
0x142: {  	_ =	swait.ge [sflag:s19], $0x4000  }
0x143: {  	[sflag:s19] =	ssyncset.done $0x0  }
0x144: {  	[sflag:s19] =	ssyncadd.s32 $0xFFFFC000  }
0x145: {  	[spmem:s2] =	stream.indirect.scatter.add.f32 [tilespmem:s17], [sflag:$0x3], $0x80, s5, s16, $0xb8;
	[tilespmem:$0x1D000] =	vst v63  }
0x146: {  	_ =	swait.ge [sflag:s14], $0x4000  }
0x147: {  	[sflag:s14] =	ssyncset.done $0x0  }
0x148: {  	[sflag:s14] =	ssyncadd.s32 $0xFFFFC000  }
0x149: {  	[tilespmem:s17], [sflag:$0x2] =	stream.indirect.gather [hbm4b:s4+s16], $0x80, s7, s16, $0xb8;
	[tilespmem:$0x1D000] =	vst v63  }
0x14a: {  	_ =	swait.ge [sflag:s18], $0x4000  }
0x14b: {  	[sflag:s18] =	ssyncset.done $0x0  }
0x14c: {  	[sflag:s18] =	ssyncadd.s32 $0xFFFFC000  }
0x14d: {  	[spmem:s2] =	stream.indirect.scatter.add.f32 [tilespmem:s13], [sflag:$0x3], $0x80, s9, s16, $0xb8;
	[tilespmem:$0x1D000] =	vst v63  }
0x14e: {  	_ =	swait.ge [sflag:s14], $0x4000  }
0x14f: {  	[sflag:s14] =	ssyncset.done $0x0  }
0x150: {  	[sflag:s14] =	ssyncadd.s32 $0xFFFFC000  }
0x151: {  	p1 =	seq.s32 s8, $0x900;
	_ =	swait.ge [sflag:s19], $0x4000  }
.Ltmp3:
0x152: {  	[sflag:s19] =	ssyncset.done $0x0;
	(pc) =	sbr.rel @!p1 .LBB2_3-.Ltmp3, $4  }
0x153: {  	[sflag:s19] =	ssyncadd.s32 $0xFFFFC000  }
0x154: {  	[spmem:s2] =	stream.indirect.scatter.add.f32 [tilespmem:s17], [sflag:$0x3], $0x80, s10, s16, $0xb8;
	[tilespmem:$0x1D000] =	vst v63  }
0x155: {  	_ =	swait.ge [sflag:s14], $0x4000  }
0x156: {  	s8 =	sadd.s32 $0x100, s8;
	s6 =	rddreg [dreg:$0x5];
	[sflag:s14] =	ssyncset.done $0x0  }
0x157: {  	[sflag:s14] =	ssyncadd.s32 $0xFFFFC000;
	s6 =	sadd.s32 s12, s6  }
0x158: {  	[tilespmem:s3], [sflag:$0x3] =	stream.linear.gather [hbm4b:s6+s3], $0x800, $0x38;
	[tilespmem:$0x1D000] =	vst v63  }
0x159: {  	_ =	swait.ge [sflag:s14], $0x800  }
0x15a: {  	s11 =	rddreg [dreg:$0x4];
	[sflag:s14] =	ssyncset.done $0x0  }
0x15b: {  	s6 =	sadd.s32 s12, s11;
	[sflag:s14] =	ssyncadd.s32 $0xFFFFF800  }
0x15c: {  	[tilespmem:s15], [sflag:$0x3] =	stream.linear.gather [hbm4b:s6+s3], $0x800, $0x38;
	[tilespmem:$0x1D000] =	vst v63  }
0x15d: {  	_ =	swait.ge [sflag:s14], $0x800  }
0x15e: {  	[sflag:s14] =	ssyncset.done $0x0  }
0x15f: {  	[sflag:s14] =	ssyncadd.s32 $0xFFFFF800  }
0x160: {  	[tilespmem:s13], [sflag:$0x1] =	stream.indirect.gather [hbm4b:s4+s16], $0x80, s3, s16, $0xb8;
	[tilespmem:$0x1D000] =	vst v63  }
0x161: {  	_ = 	snop  }
0x162: {  	[tilespmem:s17], [sflag:$0x2] =	stream.indirect.gather [hbm4b:s4+s16], $0x80, s16, s16, $0xb8;
	[tilespmem:$0x1D000] =	vst v63  }
0x163: {  	_ =	swait.ge [sflag:s18], $0x4000  }
0x164: {  	[sflag:s18] =	ssyncset.done $0x0  }
0x165: {  	[sflag:s18] =	ssyncadd.s32 $0xFFFFC000  }
0x166: {  	[spmem:s2] =	stream.indirect.scatter.add.f32 [tilespmem:s13], [sflag:$0x3], $0x80, s15, s16, $0xb8;
	[tilespmem:$0x1D000] =	vst v63  }
0x167: {  	_ =	swait.ge [sflag:s14], $0x4000  }
0x168: {  	[sflag:s14] =	ssyncset.done $0x0  }
0x169: {  	s12 =	rddreg [dreg:$0x6];
	[sflag:s14] =	ssyncadd.s32 $0xFFFFC000  }
0x16a: {  	[tilespmem:s13], [sflag:$0x1] =	stream.indirect.gather [hbm4b:s4+s16], $0x80, s12, s16, $0xb8;
	[tilespmem:$0x1D000] =	vst v63  }
0x16b: {  	_ =	swait.ge [sflag:s19], $0x4000  }
0x16c: {  	[sflag:s19] =	ssyncset.done $0x0  }
0x16d: {  	s8 =	rddreg [dreg:$0x7];
	[sflag:s19] =	ssyncadd.s32 $0xFFFFC000  }
0x16e: {  	[spmem:s2] =	stream.indirect.scatter.add.f32 [tilespmem:s17], [sflag:$0x3], $0x80, s8, s16, $0xb8;
	[tilespmem:$0x1D000] =	vst v63  }
0x16f: {  	_ =	swait.ge [sflag:s14], $0x4000  }
0x170: {  	[sflag:s14] =	ssyncset.done $0x0  }
0x171: {  	s11 =	rddreg [dreg:$0x8];
	[sflag:s14] =	ssyncadd.s32 $0xFFFFC000  }
0x172: {  	[tilespmem:s17], [sflag:$0x2] =	stream.indirect.gather [hbm4b:s4+s16], $0x80, s11, s16, $0xb8;
	[tilespmem:$0x1D000] =	vst v63  }
0x173: {  	_ =	swait.ge [sflag:s18], $0x4000  }
0x174: {  	[sflag:s18] =	ssyncset.done $0x0  }
0x175: {  	s12 =	rddreg [dreg:$0x9];
	[sflag:s18] =	ssyncadd.s32 $0xFFFFC000  }
0x176: {  	[spmem:s2] =	stream.indirect.scatter.add.f32 [tilespmem:s13], [sflag:$0x3], $0x80, s12, s16, $0xb8;
	[tilespmem:$0x1D000] =	vst v63  }
0x177: {  	_ =	swait.ge [sflag:s14], $0x4000  }
0x178: {  	[sflag:s14] =	ssyncset.done $0x0  }
0x179: {  	s8 =	rddreg [dreg:$0xa];
	[sflag:s14] =	ssyncadd.s32 $0xFFFFC000  }
0x17a: {  	[tilespmem:s13], [sflag:$0x1] =	stream.indirect.gather [hbm4b:s4+s16], $0x80, s8, s16, $0xb8;
	[tilespmem:$0x1D000] =	vst v63  }
0x17b: {  	_ =	swait.ge [sflag:s19], $0x4000  }
0x17c: {  	[sflag:s19] =	ssyncset.done $0x0  }
0x17d: {  	s11 =	rddreg [dreg:$0xb];
	[sflag:s19] =	ssyncadd.s32 $0xFFFFC000  }
0x17e: {  	[spmem:s2] =	stream.indirect.scatter.add.f32 [tilespmem:s17], [sflag:$0x3], $0x80, s11, s16, $0xb8;
	[tilespmem:$0x1D000] =	vst v63  }
0x17f: {  	_ =	swait.ge [sflag:s14], $0x4000  }
0x180: {  	[sflag:s14] =	ssyncset.done $0x0  }
0x181: {  	s12 =	rddreg [dreg:$0xc];
	[sflag:s14] =	ssyncadd.s32 $0xFFFFC000  }
0x182: {  	[tilespmem:s17], [sflag:$0x2] =	stream.indirect.gather [hbm4b:s4+s16], $0x80, s12, s16, $0xb8;
	[tilespmem:$0x1D000] =	vst v63  }
0x183: {  	_ =	swait.ge [sflag:s18], $0x4000  }
0x184: {  	[sflag:s18] =	ssyncset.done $0x0  }
0x185: {  	s8 =	rddreg [dreg:$0xd];
	[sflag:s18] =	ssyncadd.s32 $0xFFFFC000  }
0x186: {  	[spmem:s2] =	stream.indirect.scatter.add.f32 [tilespmem:s13], [sflag:$0x3], $0x80, s8, s16, $0xb8;
	[tilespmem:$0x1D000] =	vst v63  }
0x187: {  	_ =	swait.ge [sflag:s14], $0x4000  }
0x188: {  	[sflag:s14] =	ssyncset.done $0x0  }
0x189: {  	s11 =	rddreg [dreg:$0xe];
	[sflag:s14] =	ssyncadd.s32 $0xFFFFC000  }
0x18a: {  	[tilespmem:s13], [sflag:$0x1] =	stream.indirect.gather [hbm4b:s4+s16], $0x80, s11, s16, $0xb8;
	[tilespmem:$0x1D000] =	vst v63  }
0x18b: {  	_ =	swait.ge [sflag:s19], $0x4000  }
0x18c: {  	[sflag:s19] =	ssyncset.done $0x0  }
0x18d: {  	s12 =	rddreg [dreg:$0xf];
	[sflag:s19] =	ssyncadd.s32 $0xFFFFC000  }
0x18e: {  	[spmem:s2] =	stream.indirect.scatter.add.f32 [tilespmem:s17], [sflag:$0x3], $0x80, s12, s16, $0xb8;
	[tilespmem:$0x1D000] =	vst v63  }
0x18f: {  	_ =	swait.ge [sflag:s14], $0x4000  }
0x190: {  	[sflag:s14] =	ssyncset.done $0x0  }
0x191: {  	s8 =	rddreg [dreg:$0x10];
	[sflag:s14] =	ssyncadd.s32 $0xFFFFC000  }
0x192: {  	[tilespmem:s17], [sflag:$0x2] =	stream.indirect.gather [hbm4b:s4+s16], $0x80, s8, s16, $0xb8;
	[tilespmem:$0x1D000] =	vst v63  }
0x193: {  	_ =	swait.ge [sflag:s18], $0x4000  }
0x194: {  	[sflag:s18] =	ssyncset.done $0x0  }
0x195: {  	s11 =	rddreg [dreg:$0x11];
	[sflag:s18] =	ssyncadd.s32 $0xFFFFC000  }
0x196: {  	[spmem:s2] =	stream.indirect.scatter.add.f32 [tilespmem:s13], [sflag:$0x3], $0x80, s11, s16, $0xb8;
	[tilespmem:$0x1D000] =	vst v63  }
0x197: {  	_ =	swait.ge [sflag:s14], $0x4000  }
0x198: {  	[sflag:s14] =	ssyncset.done $0x0  }
0x199: {  	[sflag:s14] =	ssyncadd.s32 $0xFFFFC000  }
0x19a: {  	[tilespmem:s13], [sflag:$0x1] =	stream.indirect.gather [hbm4b:s4+s16], $0x80, s20, s16, $0xb8;
	[tilespmem:$0x1D000] =	vst v63  }
0x19b: {  	_ =	swait.ge [sflag:s19], $0x4000  }
0x19c: {  	[sflag:s19] =	ssyncset.done $0x0  }
0x19d: {  	[sflag:s19] =	ssyncadd.s32 $0xFFFFC000  }
0x19e: {  	[spmem:s2] =	stream.indirect.scatter.add.f32 [tilespmem:s17], [sflag:$0x3], $0x80, s21, s16, $0xb8;
	[tilespmem:$0x1D000] =	vst v63  }
0x19f: {  	_ =	swait.ge [sflag:s14], $0x4000  }
0x1a0: {  	[sflag:s14] =	ssyncset.done $0x0  }
0x1a1: {  	[sflag:s14] =	ssyncadd.s32 $0xFFFFC000  }
0x1a2: {  	[tilespmem:s17], [sflag:$0x2] =	stream.indirect.gather [hbm4b:s4+s16], $0x80, s22, s16, $0xb8;
	[tilespmem:$0x1D000] =	vst v63  }
0x1a3: {  	_ =	swait.ge [sflag:s18], $0x4000  }
0x1a4: {  	[sflag:s18] =	ssyncset.done $0x0  }
0x1a5: {  	[sflag:s18] =	ssyncadd.s32 $0xFFFFC000  }
0x1a6: {  	[spmem:s2] =	stream.indirect.scatter.add.f32 [tilespmem:s13], [sflag:$0x3], $0x80, s23, s16, $0xb8;
	[tilespmem:$0x1D000] =	vst v63  }
0x1a7: {  	_ =	swait.ge [sflag:s14], $0x4000  }
0x1a8: {  	[sflag:s14] =	ssyncset.done $0x0  }
0x1a9: {  	[sflag:s14] =	ssyncadd.s32 $0xFFFFC000  }
0x1aa: {  	[tilespmem:s13], [sflag:$0x1] =	stream.indirect.gather [hbm4b:s4+s16], $0x80, s24, s16, $0xb8;
	[tilespmem:$0x1D000] =	vst v63  }
0x1ab: {  	_ =	swait.ge [sflag:s19], $0x4000  }
0x1ac: {  	[sflag:s19] =	ssyncset.done $0x0  }
0x1ad: {  	[sflag:s19] =	ssyncadd.s32 $0xFFFFC000  }
0x1ae: {  	[spmem:s2] =	stream.indirect.scatter.add.f32 [tilespmem:s17], [sflag:$0x3], $0x80, s25, s16, $0xb8;
	[tilespmem:$0x1D000] =	vst v63  }
0x1af: {  	_ =	swait.ge [sflag:s14], $0x4000  }
0x1b0: {  	[sflag:s14] =	ssyncset.done $0x0  }
0x1b1: {  	[sflag:s14] =	ssyncadd.s32 $0xFFFFC000  }
0x1b2: {  	[tilespmem:s17], [sflag:$0x2] =	stream.indirect.gather [hbm4b:s4+s16], $0x80, s26, s16, $0xb8;
	[tilespmem:$0x1D000] =	vst v63  }
0x1b3: {  	_ =	swait.ge [sflag:s18], $0x4000  }
0x1b4: {  	[sflag:s18] =	ssyncset.done $0x0  }
0x1b5: {  	[sflag:s18] =	ssyncadd.s32 $0xFFFFC000  }
0x1b6: {  	[spmem:s2] =	stream.indirect.scatter.add.f32 [tilespmem:s13], [sflag:$0x3], $0x80, s28, s16, $0xb8;
	[tilespmem:$0x1D000] =	vst v63  }
0x1b7: {  	_ =	swait.ge [sflag:s14], $0x4000  }
0x1b8: {  	[sflag:s14] =	ssyncset.done $0x0  }
0x1b9: {  	[sflag:s14] =	ssyncadd.s32 $0xFFFFC000  }
0x1ba: {  	[tilespmem:s13], [sflag:$0x1] =	stream.indirect.gather [hbm4b:s4+s16], $0x80, s29, s16, $0xb8;
	[tilespmem:$0x1D000] =	vst v63  }
0x1bb: {  	_ =	swait.ge [sflag:s19], $0x4000  }
0x1bc: {  	[sflag:s19] =	ssyncset.done $0x0  }
0x1bd: {  	[sflag:s19] =	ssyncadd.s32 $0xFFFFC000  }
0x1be: {  	[spmem:s2] =	stream.indirect.scatter.add.f32 [tilespmem:s17], [sflag:$0x3], $0x80, s30, s16, $0xb8;
	[tilespmem:$0x1D000] =	vst v63  }
0x1bf: {  	_ =	swait.ge [sflag:s14], $0x4000  }
0x1c0: {  	[sflag:s14] =	ssyncset.done $0x0  }
0x1c1: {  	[sflag:s14] =	ssyncadd.s32 $0xFFFFC000  }
0x1c2: {  	[tilespmem:s17], [sflag:$0x2] =	stream.indirect.gather [hbm4b:s4+s16], $0x80, s31, s16, $0xb8;
	[tilespmem:$0x1D000] =	vst v63  }
0x1c3: {  	_ =	swait.ge [sflag:s18], $0x4000  }
0x1c4: {  	[sflag:s18] =	ssyncset.done $0x0  }
0x1c5: {  	[sflag:s18] =	ssyncadd.s32 $0xFFFFC000  }
0x1c6: {  	[spmem:s2] =	stream.indirect.scatter.add.f32 [tilespmem:s13], [sflag:$0x3], $0x80, s0, s16, $0xb8;
	[tilespmem:$0x1D000] =	vst v63  }
0x1c7: {  	_ =	swait.ge [sflag:s14], $0x4000  }
0x1c8: {  	[sflag:s14] =	ssyncset.done $0x0  }
0x1c9: {  	[sflag:s14] =	ssyncadd.s32 $0xFFFFC000  }
0x1ca: {  	[tilespmem:s13], [sflag:$0x1] =	stream.indirect.gather [hbm4b:s4+s16], $0x80, s1, s16, $0xb8;
	[tilespmem:$0x1D000] =	vst v63  }
0x1cb: {  	_ =	swait.ge [sflag:s19], $0x4000  }
0x1cc: {  	[sflag:s19] =	ssyncset.done $0x0  }
0x1cd: {  	[sflag:s19] =	ssyncadd.s32 $0xFFFFC000  }
0x1ce: {  	[spmem:s2] =	stream.indirect.scatter.add.f32 [tilespmem:s17], [sflag:$0x3], $0x80, s5, s16, $0xb8;
	[tilespmem:$0x1D000] =	vst v63  }
0x1cf: {  	_ =	swait.ge [sflag:s14], $0x4000  }
0x1d0: {  	[sflag:s14] =	ssyncset.done $0x0  }
0x1d1: {  	[sflag:s14] =	ssyncadd.s32 $0xFFFFC000  }
0x1d2: {  	[tilespmem:s17], [sflag:$0x2] =	stream.indirect.gather [hbm4b:s4+s16], $0x80, s7, s16, $0xb8;
	[tilespmem:$0x1D000] =	vst v63  }
0x1d3: {  	_ =	swait.ge [sflag:s18], $0x4000  }
0x1d4: {  	[sflag:s18] =	ssyncset.done $0x0  }
0x1d5: {  	[sflag:s18] =	ssyncadd.s32 $0xFFFFC000  }
0x1d6: {  	[spmem:s2] =	stream.indirect.scatter.add.f32 [tilespmem:s13], [sflag:$0x3], $0x80, s9, s16, $0xb8;
	[tilespmem:$0x1D000] =	vst v63  }
0x1d7: {  	_ =	swait.ge [sflag:s14], $0x4000  }
0x1d8: {  	[sflag:s14] =	ssyncset.done $0x0  }
0x1d9: {  	[sflag:s14] =	ssyncadd.s32 $0xFFFFC000  }
0x1da: {  	_ =	swait.ge [sflag:s19], $0x4000  }
0x1db: {  	[sflag:s19] =	ssyncset.done $0x0  }
0x1dc: {  	[sflag:s19] =	ssyncadd.s32 $0xFFFFC000  }
0x1dd: {  	[spmem:s2] =	stream.indirect.scatter.add.f32 [tilespmem:s17], [sflag:$0x3], $0x80, s10, s16, $0xb8;
	[tilespmem:$0x1D000] =	vst v63  }
0x1de: {  	_ =	swait.ge [sflag:s14], $0x4000  }
0x1df: {  	[sflag:s14] =	ssyncset.done $0x0  }
0x1e0: {  	s12 =	stileid.u32;
	[sflag:s14] =	ssyncadd.s32 $0xFFFFC000  }
0x1e1: {  	s6 =	sshll.u32 s12, $0x6;
	[bflag:$0x0] =	sbarrier.arrive $0xFFFF  }
0x1e2: {  	s6 =	sor.u32 $0x1C03, s6;
	s11 =	rddreg [dreg:$0x13]  }
.Ltmp4:
0x1e3: {  	s12 =	rddreg [dreg:$0x14];
	s8 =	sshrl.u32 s11, $0x3;
	(pc) =	sbr.rel .LBB2_5-.Ltmp4, $4  }
0x1e4: {  	[hbm:s12], [sflag:s6] =	dma.local [spmem:s8], $0x2800  }
0x1e5: {  	_ =	swait.ge [sflag:s14], $0x2800  }
0x1e6: {  	[sflag:s14] =	ssyncset.done $0x0;
	s8 =	rddreg [dreg:$0x15]  }
0x1e7: {  	s6 =	rddreg [dreg:$0x1a];
	[sflag:s14] =	ssyncadd.s32 $0xFFFFD800  }
.LBB2_6:
0x1e8: {  	_ =	sfence.sel $0x180000  }
0x1e9: {  	[bflag:$0x0] =	sbarrier.arrive $0xFFFF  }
0x1ea: {  	_ =	strace $0x9000004D  }
0x1eb: {  	s0 =	stileid.u32;
	[bflag:$0x2] =	sbarrier.arrive $0xFFFF  }
0x1ec: {  	p0 =	sne.s32 s0, $0x0;
	s0 =	rddreg [dreg:$0x3]  }
0x1ed: {  	s0 =	sadd.s32 @!p0 $0x100000, s0  }
0x1ee: {  	[sflag:s0] =	ssyncadd.tile.s32 @!p0 $0x1;
	_ =	shalt  }
.Lfunc_end2:
_tile_overlayer_lowered:
.L_overlay_start_2:
0x1ef: {  	(tag) =	ssettag $0x2  }
0x1f0: {  	s0 =	rddreg [dreg:$0x0];
	s2 =	stileid.u32  }
0x1f1: {  	s1 =	rddreg [dreg:$0x1];
	p0 =	sne.s32 s2, $0x0  }
0x1f2: {  	s3 =	rddreg [dreg:$0x2];
	[bflag:$0x3] =	sbarrier.arrive $0xFFFF;
	s2 =	simm.s32 @!p0 $0x1C03  }
0x1f3: {  	[timem:s3], [sflag:s2] =	dma.local @!p0 [hbm:s0], s1  }
0x1f4: {  	s0 =	simm.s32 @!p0 $0x3  }
0x1f5: {  	_ =	swait.ge @!p0 [sflag:s0], s1  }
0x1f6: {  	s1 =	ssub.s32 @!p0 $0x0, s1;
	[sflag:s0] =	ssyncset.done @!p0 $0x0  }
0x1f7: {  	[sflag:s0] =	ssyncadd.s32 @!p0 s1  }
0x1f8: {  	[bflag:$0x3] =	sbarrier.arrive $0xFFFF  }
0x1f9: {  	_ =	shalt  }

// kernel: kernel.8.cloned.1.call-start
scs
__scs_entry_jumppad:
0x0: {  	(pc) =	sbr.rel $0x88, $3  }
0x1: {  	(tag) =	ssettag $0x0;
	lr =	simm.s32 $0x1  }
0x2: {  	[smem:$0x3F9B] =	sst lr;
	_ =	strace $0xD0000000  }
0x3: {  	_ = 	snop  }
0x4: {  	_ = 	snop  }
0x5: {  	_ = 	snop  }
0x6: {  	_ = 	snop  }
0x7: {  	_ = 	snop  }
__scs_overlays_trampoline_lowered:
0x8: {  	[smem:$0x3FAA] =	sst s0  }
0x9: {  	[smem:$0x3FAB] =	sst s1  }
0xa: {  	[smem:$0x3FAC] =	sst s2  }
0xb: {  	[smem:$0x3FAD] =	sst s3  }
0xc: {  	[smem:$0x3FAE] =	sst s4  }
0xd: {  	[smem:$0x3FAF] =	sst s5  }
0xe: {  	[smem:$0x3FB0] =	sst s6  }
0xf: {  	[smem:$0x3FB1] =	sst s7  }
0x10: {  	[smem:$0x3FB2] =	sst s8  }
0x11: {  	[smem:$0x3FB3] =	sst s9;
	s0 =	simm.s32 @!p0 $0x0  }
0x12: {  	s1 =	sld [smem:$0x3F99];
	s0 =	simm.s32 @p0 $0x1  }
0x13: {  	[smem:$0x3FB4] =	sst s0;
	s0 =	simm.s32 @!p1 $0x0  }
0x14: {  	s2 =	sld [smem:$0x3F98];
	s0 =	simm.s32 @p1 $0x1  }
0x15: {  	[smem:$0x3FB5] =	sst s0;
	s0 =	simm.s32 @!p2 $0x0  }
0x16: {  	s3 =	sld [smem:$0x3FDB];
	s0 =	simm.s32 @p2 $0x1  }
0x17: {  	s4 =	simm.s32 $0x1BF5;
	[smem:$0x3FB7] =	sst s0  }
0x18: {  	s0 =	sld [smem:$0x3F9A];
	_ =	swait.ge [sflag:s4], $0x0  }
0x19: {  	s7 =	sld [smem:$0x3F9B]  }
0x1a: {  	s8 =	sadd.s32 $0xFFFFE003, lr  }
0x1b: {  	s9 =	sadd.s32 $0xFFFFFEF7, lr;
	s5 =	simm.s32 $0xFFFFFFFF;
	p2 =	slt.u32 s8, $0xFFFFF086  }
0x1c: {  	p1 =	slt.u32 s9, $0xF7A;
	s5 =	simm.s32 @!p2 $0x0  }
0x1d: {  	s5 =	simm.s32 @p1 $0x1;
	p0 =	seq.s32 s7, s2  }
0x1e: {  	s7 =	smul.u32 @!p0 $0xF7A, s2;
	p2 =	seq.s32 @!p0 s5, $0x0  }
0x1f: {  	s9 =	smul.u32 $0xF7A, s1;
	s8 =	simm.s32 @!p0 $0x1BF5;
	p2 =	por !p2, p0  }
0x20: {  	[sflag:s8] =	ssyncset.s32 @!p0 $0xFFFFF086;
	s6 =	sadd.s32 @!p0 s3, s7;
	s7 =	simm.s32 @!p0 $0x108  }
0x21: {  	s3 =	sadd.s32 s3, s9;
	s6 =	sadd.s32 @!p0 $0x88, s6;
	s7 =	simm.s32 @p2 $0x1082  }
0x22: {  	[simem:s7], [sflag:s8] =	dma.local @!p0 [hbm:s6], $0xF7A  }
0x23: {  	s9 =	sor.u32 $0xD0000000, s2;
	s6 =	simm.s32 $0x108;
	_ =	swait.ge @!p0 [sflag:s8], $0x0  }
0x24: {  	s3 =	sadd.s32 $0x88, s3;
	s6 =	simm.s32 @!p1 $0x1082;
	[sflag:s4] =	ssyncset.s32 $0xFFFFF086  }
0x25: {  	[simem:s6], [sflag:s4] =	dma.local [hbm:s3], $0xF7A  }
0x26: {  	[smem:$0x3F9B] =	sst s1;
	(tag) =	ssettag s2;
	_ =	strace s9  }
0x27: {  	s1 =	sld [smem:$0x3FAB]  }
0x28: {  	s2 =	sld [smem:$0x3FAC]  }
0x29: {  	s4 =	sld [smem:$0x3FAE]  }
0x2a: {  	p0 =	seq.s32 s5, $0x0;
	s5 =	sld [smem:$0x3FAF]  }
0x2b: {  	s6 =	sld [smem:$0x3FB0]  }
0x2c: {  	s7 =	sld [smem:$0x3FB1]  }
0x2d: {  	s3 =	simm.s32 $0x108;
	s8 =	sld [smem:$0x3FB2]  }
0x2e: {  	s3 =	simm.s32 @!p0 $0x1082;
	s9 =	sld [smem:$0x3FB3]  }
0x2f: {  	lr =	sadd.s32 s0, s3;
	s0 =	sld [smem:$0x3FAA]  }
0x30: {  	s3 =	sld [smem:$0x3FAD]  }
0x31: {  	[smem:$0x3FB6] =	sst s10  }
0x32: {  	s10 =	sld [smem:$0x3FB4];
	_ =	sdelay $0x3  }
0x33: {  	p0 =	seq.s32 s10, $0x1;
	s10 =	sld [smem:$0x3FB6];
	_ =	sdelay $0x3  }
0x34: {  	[smem:$0x3FB6] =	sst s10  }
0x35: {  	s10 =	sld [smem:$0x3FB5];
	_ =	sdelay $0x3  }
0x36: {  	p1 =	seq.s32 s10, $0x1;
	s10 =	sld [smem:$0x3FB6];
	_ =	sdelay $0x3  }
0x37: {  	[smem:$0x3FB6] =	sst s10  }
0x38: {  	s10 =	sld [smem:$0x3FB7]  }
0x39: {  	_ = 	snop;
	(pc) =	sbr.ind lr, $3  }
0x3a: {  	_ = 	snop  }
0x3b: {  	_ = 	snop  }
0x3c: {  	p2 =	seq.s32 s10, $0x1;
	s10 =	sld [smem:$0x3FB6]  }
0x3d: {  	_ =	shalt  }
0x3e: {  	_ =	shalt  }
0x3f: {  	_ =	shalt  }
0x40: {  	_ =	shalt  }
0x41: {  	_ =	shalt  }
0x42: {  	_ =	shalt  }
0x43: {  	_ =	shalt  }
0x44: {  	_ =	shalt  }
0x45: {  	_ =	shalt  }
0x46: {  	_ =	shalt  }
0x47: {  	_ =	shalt  }
0x48: {  	_ =	shalt  }
0x49: {  	_ =	shalt  }
0x4a: {  	_ =	shalt  }
0x4b: {  	_ =	shalt  }
0x4c: {  	_ =	shalt  }
0x4d: {  	_ =	shalt  }
0x4e: {  	_ =	shalt  }
0x4f: {  	_ =	shalt  }
0x50: {  	_ =	shalt  }
0x51: {  	_ =	shalt  }
0x52: {  	_ =	shalt  }
0x53: {  	_ =	shalt  }
0x54: {  	_ =	shalt  }
0x55: {  	_ =	shalt  }
0x56: {  	_ =	shalt  }
0x57: {  	_ =	shalt  }
0x58: {  	_ =	shalt  }
0x59: {  	_ =	shalt  }
0x5a: {  	_ =	shalt  }
0x5b: {  	_ =	shalt  }
0x5c: {  	_ =	shalt  }
0x5d: {  	_ =	shalt  }
0x5e: {  	_ =	shalt  }
0x5f: {  	_ =	shalt  }
0x60: {  	_ =	shalt  }
0x61: {  	_ =	shalt  }
0x62: {  	_ =	shalt  }
0x63: {  	_ =	shalt  }
0x64: {  	_ =	shalt  }
0x65: {  	_ =	shalt  }
0x66: {  	_ =	shalt  }
0x67: {  	_ =	shalt  }
0x68: {  	_ =	shalt  }
0x69: {  	_ =	shalt  }
0x6a: {  	_ =	shalt  }
0x6b: {  	_ =	shalt  }
0x6c: {  	_ =	shalt  }
0x6d: {  	_ =	shalt  }
0x6e: {  	_ =	shalt  }
0x6f: {  	_ =	shalt  }
0x70: {  	_ =	shalt  }
0x71: {  	_ =	shalt  }
0x72: {  	_ =	shalt  }
0x73: {  	_ =	shalt  }
0x74: {  	_ =	shalt  }
0x75: {  	_ =	shalt  }
0x76: {  	_ =	shalt  }
0x77: {  	_ =	shalt  }
0x78: {  	_ =	shalt  }
0x79: {  	_ =	shalt  }
0x7a: {  	_ =	shalt  }
0x7b: {  	_ =	shalt  }
0x7c: {  	_ =	shalt  }
0x7d: {  	_ =	shalt  }
0x7e: {  	_ =	shalt  }
0x7f: {  	_ =	shalt  }
0x80: {  	_ =	shalt  }
0x81: {  	_ =	shalt  }
0x82: {  	_ =	shalt  }
0x83: {  	_ =	shalt  }
0x84: {  	_ =	shalt  }
0x85: {  	_ =	shalt  }
0x86: {  	_ =	shalt  }
0x87: {  	_ =	shalt  }
.Lfunc_end0:
.L_simem_size_0:
called_computation_lowered:
.L_overlay_start_0:
0x88: {  	s2 =	sld [smem:$0x3FD9]  }
0x89: {  	s3 =	sld [smem:$0x3FFE];
	_ =	sdelay $0x1  }
0x8a: {  	s1 =	srdreg.scid  }
0x8b: {  	s0 =	sand.u32 $0x1, s1  }
0x8c: {  	s17 =	sshll.u32 s0, $0xA;
	s2 =	sadd.s32 s3, s2  }
0x8d: {  	s2 =	sadd.s32 s2, s17  }
0x8e: {  	[smem:$0x3FC2] =	sst s2  }
0x8f: {  	_ = 	snop  }
0x90: {  	s2 =	sld [smem:$0x3FD0];
	(tm) =	ssettm $0x1  }
0x91: {  	s18 =	sld [smem:$0x3FFB];
	_ =	sdelay $0x3  }
0x92: {  	_ =	strace s18  }
0x93: {  	s3 =	sld [smem:$0x3FFC];
	_ =	sdelay $0x3  }
0x94: {  	_ =	strace s3  }
0x95: {  	s3 =	sld [smem:$0x3FFD];
	_ =	sdelay $0x3  }
0x96: {  	_ =	strace s3  }
0x97: {  	_ =	strace $0x8FFFFFFF  }
0x98: {  	s19 =	sld [smem:$0x3FDB];
	_ =	sdelay $0x1  }
0x99: {  	s4 =	simm.s32 $_scs_section_size  }
0x9a: {  	s5 =	simm.s32 $_size__tile_overlayer_lowered;
	s6 =	simm.s32 $_tile_overlayer_lowered  }
0x9b: {  	s22 =	simm.s32 $0x1BFF;
	s21 =	sshll.u32 s6, $0x1;
	s3 =	sadd.s32 s4, s19  }
0x9c: {  	s7 =	simm.s32 $0x0;
	s20 =	sshll.u32 s5, $0x1;
	s5 =	sadd.s32 s21, s3  }
0x9d: {  	[timem:s7], [sflag:s22] =	dma.local [hbm:s5], s20  }
0x9e: {  	_ =	swait.ge [sflag:s22], s20  }
0x9f: {  	s4 =	ssub.s32 $0x0, s20;
	[sflag:s22] =	ssyncset.done $0x0  }
0xa0: {  	[sflag:s22] =	ssyncadd.s32 s4;
	_ =	sdelay $0x1  }
0xa1: {  	s23 =	simm.s32 $0x1B8B  }
0xa2: {  	_ =	swait.ge [sflag:s23], $0x1  }
0xa3: {  	[sflag:s23] =	ssyncset.done $0x0  }
0xa4: {  	s25 =	simm.s32 $0x1B8E;
	s24 =	sld [smem:$0x3FFE];
	[sflag:s23] =	ssyncadd.s32 $0xFFFFFFFF  }
0xa5: {  	s26 =	simm.s32 $execute0_lowered;
	[smem:$0x3FD2] =	sst s25  }
0xa6: {  	s5 =	sshll.u32 s26, $0x1;
	_ =	strace $0x80000046;
	[dreg:$0x1] =	wrdreg $0xFFFFFFFF  }
0xa7: {  	s28 =	simm.s32 $_size_execute0_lowered;
	s3 =	sadd.s32 s3, s5;
	[dreg:$0x0] =	wrdreg $0x0  }
0xa8: {  	s5 =	sshll.u32 s28, $0x1;
	[dreg:$0x2] =	wrdreg s3  }
0xa9: {  	[dreg:$0x3] =	wrdreg s5  }
0xaa: {  	[dreg:$0x4] =	wrdreg $0xC0  }
0xab: {  	_ =	task [dreg:s7], $0x5FFFF  }
0xac: {  	[dreg:$0x1] =	wrdreg $0xFFFFFFFF  }
0xad: {  	[dreg:$0x0] =	wrdreg $0x60  }
0xae: {  	[dreg:$0x2] =	wrdreg s2  }
0xaf: {  	[dreg:$0x3] =	wrdreg s24  }
0xb0: {  	[dreg:$0x4] =	wrdreg $0x9  }
0xb1: {  	_ =	task.clear_ibuf [dreg:s7], $0x5FFFF;
	_ =	strace $0x90000046  }
0xb2: {  	s29 =	simm.s32 $0x9;
	_ =	strace $0x80000048  }
0xb3: {  	_ =	swait.ge [sflag:s29], $0x1  }
0xb4: {  	[sflag:s29] =	ssyncadd.s32 $0xFFFFFFFF  }
0xb5: {  	_ =	strace $0x90000048  }
0xb6: {  	_ =	sfence  }
0xb7: {  	s30 =	sld [smem:$0x0];
	_ =	sdelay $0x2  }
0xb8: {  	s31 =	sshll.u32 s1, $0xD;
	s1 =	sshrl.u32 s1, $0x2  }
0xb9: {  	s3 =	sand.u32 $0x4000, s31;
	s1 =	sadd.s32 s1, s30  }
0xba: {  	s0 =	sor.u32 s3, s0;
	s1 =	sshll.u32 s1, $0x11  }
0xbb: {  	s0 =	sor.u32 s1, s0  }
0xbc: {  	s0 =	sadd.s32 $0x8F2B, s0  }
0xbd: {  	[sflag:s0] =	ssyncadd.remote.s32 $0x1  }
0xbe: {  	_ =	sfence.sel $0xFFFF  }
0xbf: {  	[dreg:$0x0] =	wrdreg $0xFFFFFFFF;
	(pc) =	sbr.abs _section_cstart, $3  }
0xc0: {  	[dreg:$0x1] =	wrdreg $0xFFFFFFFF  }
0xc1: {  	_ =	task.clear_ibuf [dreg:s7], $0x2FFFF;
	_ =	strace $0x9FFFFFFF  }
0xc2: {  	(tm) =	ssettm $0x7FFFFFFF  }
0xc3: {  	_ =	shalt  }
tec
execute0_lowered:
.L_overlay_start_1:
0x0: {  	(tag) =	ssettag $0x1  }
0x1: {  	s0 =	srdreg.scid  }
0x2: {  	s3 =	sand.u32 $0x1, s0  }
0x3: {  	s0 =	stileid.u32;
	s1 =	sshll.u32 s3, $0x4  }
0x4: {  	s5 =	rddreg [dreg:$0x0];
	s4 =	sor.u32 s0, s1  }
0x5: {  	s6 =	rddreg [dreg:$0x1];
	s2 =	simm.s32 $0x0;
	s1 =	sshrl.u32 s4, $0x3  }
0x6: {  	s9 =	simm.s32 $0x400;
	s8 =	sshll.u32 s0, $0x7;
	s7 =	smul.u32 $0x14000, s1  }
0x7: {  	s10 =	simm.s32 $0x0;
	s3 =	ssub.s32 $0x2, s3;
	s8 =	sand.u32 $0x380, s8  }
0x8: {  	[smem:$0x7FF] =	sst s2;
	s31 =	sshrl.u32 s3, $0x1;
	s7 =	sor.u32 s8, s7  }
0x9: {  	s4 =	smul.u32 $0x500, s4;
	s1 =	rddreg [dreg:$0x2];
	s7 =	sshrl.u32 s7, $0x3  }
0xa: {  	_ =	strace $0x80000047;
	s8 =	simm.s32 $0x80;
	s6 =	sadd.s32 s7, s6  }
0xb: {  	s7 =	ssub.s32 s3, s31;
	s3 =	sadd.s32 s5, s4;
	s4 =	sadd.s32 $0x2A00, s6  }
0xc: {  	v0 =	vimm.f32 $0.0e+00;
	v1 =	vimm.f32 $1.000000000e+00;
	s5 =	smax.u32 s7, $0x1;
	s6 =	simm.s32 $0x1;
	s7 =	simm.s32 $0x2800  }
.LBB2_1:
0xd: {  	[tilespmem:s2], [sflag:$0x1] =	stream.linear.gather [hbm4b:s3+s2], $0x2800, $0x38;
	[tilespmem:$0x5000] =	vst v63  }
0xe: {  	_ =	swait.ge [sflag:s6], $0x2800  }
0xf: {  	[sflag:s6] =	ssyncset.done $0x0  }
0x10: {  	s11 =	simm.s32 $0x0;
	[sflag:s6] =	ssyncadd.s32 $0xFFFFD800  }
.LBB2_2:
0x11: {  	p0 =	sne.s32 s11, $0x9FC0  }
.Ltmp0:
0x12: {  	_ = 	snop;
	(pc) =	sbr.rel @p0 .LBB2_2-.Ltmp0, $3  }
0x13: {  	_ =	sdelay $0x1  }
0x14: {  	s12 =	sshra.s32 s11, $0x2  }
0x15: {  	s11 =	sadd.s32 $0x40, s11;
	[tilespmem:s12+$0x2800] =	vst v0  }
0x16: {  	s11 =	simm.s32 $0x0  }
.LBB2_4:
0x17: {  	s12 =	sshra.s32 s11, $0x2  }
0x18: {  	v2 =	vld [tilespmem:s12+$0x0];
	_ =	sdelay $0x7  }
0x19: {  	[tilespmem:v2+s7+$0x0] =	vst.idx.add.f32.msk $0xffff, v1  }
0x1a: {  	v2 =	vld [tilespmem:s12+$0x10];
	_ =	sdelay $0x7  }
0x1b: {  	[tilespmem:v2+s7+$0x0] =	vst.idx.add.f32.msk $0xffff, v1  }
0x1c: {  	v2 =	vld [tilespmem:s12+$0x20];
	_ =	sdelay $0x7  }
0x1d: {  	[tilespmem:v2+s7+$0x0] =	vst.idx.add.f32.msk $0xffff, v1  }
0x1e: {  	v2 =	vld [tilespmem:s12+$0x30];
	_ =	sdelay $0x7  }
0x1f: {  	[tilespmem:v2+s7+$0x0] =	vst.idx.add.f32.msk $0xffff, v1  }
0x20: {  	v2 =	vld [tilespmem:s12+$0x40];
	_ =	sdelay $0x7  }
0x21: {  	[tilespmem:v2+s7+$0x0] =	vst.idx.add.f32.msk $0xffff, v1  }
0x22: {  	v2 =	vld [tilespmem:s12+$0x50];
	_ =	sdelay $0x7  }
0x23: {  	[tilespmem:v2+s7+$0x0] =	vst.idx.add.f32.msk $0xffff, v1  }
0x24: {  	v2 =	vld [tilespmem:s12+$0x60];
	_ =	sdelay $0x7  }
0x25: {  	[tilespmem:v2+s7+$0x0] =	vst.idx.add.f32.msk $0xffff, v1  }
0x26: {  	v2 =	vld [tilespmem:s12+$0x70];
	_ =	sdelay $0x2  }
0x27: {  	p0 =	sne.s32 s11, $0x9E00  }
.Ltmp1:
0x28: {  	_ = 	snop;
	(pc) =	sbr.rel @p0 .LBB2_4-.Ltmp1, $2  }
0x29: {  	_ =	sdelay $0x2  }
0x2a: {  	s11 =	sadd.s32 $0x200, s11;
	[tilespmem:v2+s7+$0x0] =	vst.idx.add.f32.msk $0xffff, v1  }
0x2b: {  	s10 =	sadd.s32 $0x1, s10  }
0x2c: {  	p0 =	sne.s32 s10, s5  }
.Ltmp2:
0x2d: {  	_ = 	snop;
	(pc) =	sbr.rel @p0 .LBB2_1-.Ltmp2, $4  }
0x2e: {  	[hbm4b:s4+s8] =	stream.strided.scatter [tilespmem:s7], [sflag:$0x1], $0x2800, s9, s8, $0x38;
	[tilespmem:$0x5000] =	vst v63  }
0x2f: {  	_ =	swait.ge [sflag:s6], $0x2800  }
0x30: {  	[sflag:s6] =	ssyncset.done $0x0  }
0x31: {  	[sflag:s6] =	ssyncadd.s32 $0xFFFFD800  }
0x32: {  	_ =	sfence.sel $0x180000  }
0x33: {  	[bflag:$0x0] =	sbarrier.arrive $0xFFFF  }
0x34: {  	p0 =	sne.s32 s0, $0x0;
	_ =	strace $0x90000047  }
0x35: {  	s0 =	sadd.s32 @!p0 $0x100000, s1;
	[bflag:$0x2] =	sbarrier.arrive $0xFFFF  }
0x36: {  	[sflag:s0] =	ssyncadd.tile.s32 @!p0 $0x1;
	_ =	shalt  }
.Lfunc_end2:
_tile_overlayer_lowered:
.L_overlay_start_2:
0x37: {  	(tag) =	ssettag $0x2  }
0x38: {  	s0 =	rddreg [dreg:$0x0];
	s2 =	stileid.u32  }
0x39: {  	s1 =	rddreg [dreg:$0x1];
	p0 =	sne.s32 s2, $0x0  }
0x3a: {  	s3 =	rddreg [dreg:$0x2];
	[bflag:$0x3] =	sbarrier.arrive $0xFFFF;
	s2 =	simm.s32 @!p0 $0x1C01  }
0x3b: {  	[timem:s3], [sflag:s2] =	dma.local @!p0 [hbm:s0], s1  }
0x3c: {  	s0 =	simm.s32 @!p0 $0x1  }
0x3d: {  	_ =	swait.ge @!p0 [sflag:s0], s1  }
0x3e: {  	s1 =	ssub.s32 @!p0 $0x0, s1;
	[sflag:s0] =	ssyncset.done @!p0 $0x0  }
0x3f: {  	[sflag:s0] =	ssyncadd.s32 @!p0 s1  }
0x40: {  	[bflag:$0x3] =	sbarrier.arrive $0xFFFF  }
0x41: {  	_ =	shalt  }

</sc_bundles>
